<compile_context>
chip_gen: v7x
topology: tpu7x:2x2x1
jax: 0.10.2.dev20260603
libtpu: 0.0.44.dev20260713+nightly
codegen_flags: <defaults>
</compile_context>

<pallas_src>
import functools

import jax
import jax.numpy as jnp
from jax import lax
from jax.experimental import pallas as pl
from jax.experimental.pallas import tpu as pltpu
from jax.experimental.pallas import tpu_sc as plsc

N = 10000
E = 320000
H = 128
K = 2048

NC = 2
NS = 16
NW = NC * NS
EPW = E // NW
NT3 = 3 * N
L = 16


ZU = 8
EU = 8


def _sc_counts_kernel(nt_hbm, ei_hbm, oi_hbm, out_hbm,
                      nt_v, src_v, dst_v, cnt_v, oi_v, res_v,
                      sem0, sem1, sem2, sem3):
    cid = lax.axis_index("c")
    sid = lax.axis_index("s")
    wid = sid * NC + cid

    c0 = pltpu.async_copy(nt_hbm, nt_v, sem0)
    c1 = pltpu.async_copy(ei_hbm.at[pl.ds(wid * EPW, EPW)], src_v, sem1)
    c2 = pltpu.async_copy(ei_hbm.at[pl.ds(E + wid * EPW, EPW)], dst_v, sem2)
    c3 = pltpu.async_copy(oi_hbm, oi_v, sem3)

    zeros = jnp.zeros((L,), jnp.float32)
    ones = jnp.ones((L,), jnp.float32)

    def zero_body(i, carry):
        for u in range(ZU):
            cnt_v[pl.ds((i * ZU + u) * L, L)] = zeros
        return carry

    nz_steps = NT3 // L
    nz_full = nz_steps // ZU
    lax.fori_loop(0, nz_full, zero_body, 0)
    for u in range(nz_steps - nz_full * ZU):
        cnt_v[pl.ds((nz_full * ZU + u) * L, L)] = zeros
    c0.wait(); c1.wait(); c2.wait(); c3.wait()

    def edge_step(i):
        s = src_v[pl.ds(i * L, L)]
        d = dst_v[pl.ds(i * L, L)]
        t = plsc.load_gather(nt_v, [s])
        addr = d * 3 + t
        plsc.addupdate_scatter(cnt_v, [addr], ones)

    def edge_body(i, carry):
        for u in range(EU):
            edge_step(i * EU + u)
        return carry

    n_steps = EPW // L
    n_full = n_steps // EU
    lax.fori_loop(0, n_full, edge_body, 0)
    for u in range(n_steps - n_full * EU):
        edge_step(n_full * EU + u)

    marker = jnp.where(wid == 0, 1.0, 0.0)

    def read_body(j, carry):
        oi = oi_v[pl.ds(j * L, L)]
        t = plsc.load_gather(nt_v, [oi])
        base3 = oi * 3
        c0 = plsc.load_gather(cnt_v, [base3])
        c1 = plsc.load_gather(cnt_v, [base3 + 1])
        c2 = plsc.load_gather(cnt_v, [base3 + 2])
        res_v[0, pl.ds(j * L, L)] = c0
        res_v[1, pl.ds(j * L, L)] = c1
        res_v[2, pl.ds(j * L, L)] = c2
        res_v[3, pl.ds(j * L, L)] = t.astype(jnp.float32) * marker
        return carry

    lax.fori_loop(0, K // L, read_body, 0)

    pltpu.sync_copy(res_v, out_hbm.at[wid])


def _sc_counts(node_type, edge_index, out_idx):
    mesh = plsc.VectorSubcoreMesh(core_axis_name="c", subcore_axis_name="s")
    kern = functools.partial(
        pl.kernel,
        mesh=mesh,
        compiler_params=pltpu.CompilerParams(needs_layout_passes=False),
        out_type=jax.ShapeDtypeStruct((NW, 4, K), jnp.float32),
        scratch_types=[
            pltpu.VMEM((N,), jnp.int32),
            pltpu.VMEM((EPW,), jnp.int32),
            pltpu.VMEM((EPW,), jnp.int32),
            pltpu.VMEM((NT3,), jnp.float32),
            pltpu.VMEM((K,), jnp.int32),
            pltpu.VMEM((4, K), jnp.float32),
            pltpu.SemaphoreType.DMA,
            pltpu.SemaphoreType.DMA,
            pltpu.SemaphoreType.DMA,
            pltpu.SemaphoreType.DMA,
        ],
    )(_sc_counts_kernel)
    return kern(node_type, edge_index, out_idx)


def _tc_mlp_kernel(part_ref, initf_ref, winit_ref, binit_ref, wagg_ref,
                   wself_ref, bgnn_ref, w1_ref, b1_ref, w2_ref, b2_ref,
                   w3_ref, b3_ref, out_ref):
    psum = jnp.sum(part_ref[...], axis=0)
    c3 = psum[0:3, :]
    tb = psum[3:4, :]

    contract0 = (((0,), (0,)), ((), ()))
    contract1 = (((1,), (0,)), ((), ()))
    hp = jax.lax.Precision.HIGHEST
    bf = jnp.bfloat16
    f32 = jnp.float32

    def dotT(a, b):
        return lax.dot_general(a, b, contract0, precision=hp)

    def dot_bf16(a, b, dims):
        return lax.dot_general(a.astype(bf), b.astype(bf), dims,
                               preferred_element_type=f32)

    initf = initf_ref[...]
    winit = winit_ref[...]
    ce = jnp.concatenate(
        [dot_bf16(initf[t:t + 1, :], winit[t], contract1)
         for t in range(3)], axis=0
    ) + binit_ref[...]

    m3 = dot_bf16(ce, wagg_ref[...], contract1)
    s3 = dot_bf16(ce, wself_ref[...], contract1)

    xt = dotT(m3, c3)

    onehot = jnp.concatenate(
        [(tb == float(t)).astype(jnp.float32) for t in range(3)], axis=0
    )
    st = dotT(s3, onehot)

    ht = jnp.maximum(xt + st + bgnn_ref[...], 0.0)
    h1 = jnp.maximum(dot_bf16(w1_ref[...], ht, contract0) + b1_ref[...], 0.0)
    h2 = jnp.maximum(dot_bf16(w2_ref[...], h1, contract0) + b2_ref[...], 0.0)
    o = dot_bf16(w3_ref[...], h2, contract0) + b3_ref[...]
    out_ref[...] = 1.0 / (1.0 + jnp.exp(-o))


def _tc_mlp(partials, init_features, W_init, b_init, W_agg, W_self, b_gnn,
            W1, b1, W2, b2, W3, b3):
    return pl.pallas_call(
        _tc_mlp_kernel,
        out_shape=jax.ShapeDtypeStruct((1, K), jnp.float32),
    )(partials, init_features, W_init, b_init, W_agg, W_self, b_gnn,
      W1, b1, W2, b2, W3, b3)


@jax.jit
def kernel(init_features, W_init, b_init, W_agg, W_self, b_gnn,
           W1, b1, W2, b2, W3, b3, node_type, edge_index, out_idx):
    partials = _sc_counts(node_type, edge_index.reshape(2 * E), out_idx)
    o = _tc_mlp(partials, init_features, W_init, b_init, W_agg, W_self,
                b_gnn.reshape(H, 1), W1, b1.reshape(H, 1), W2,
                b2.reshape(H, 1), W3, b3.reshape(1, 1))
    return o.reshape(K)

# --- scband reference (transcript-rebuilt; emitter-appended) ---
"""Pipeline reference for scband-aigwrapper-27144193311185 (READ-ONLY COPY).

The authoritative reference and input builder live on the scoring server;
editing this copy changes nothing except your own understanding.
"""

import jax, jax.numpy as jnp
import numpy as np

N = 10000
E = 320000
H = 128
K = 2048


def setup_inputs(seed: int = 0) -> dict:
    key = jax.random.key(seed)
    ks = jax.random.split(key, 14)
    node_type = jax.random.randint(ks[0], (N,), 0, 3)
    edge_index = jax.random.randint(ks[1], (2, E), 0, N)
    out_idx = jax.random.randint(ks[2], (K,), 0, N)
    s = 1.0 / np.sqrt(H)
    init_features = jax.random.normal(ks[3], (3, H), dtype=jnp.float32)
    W_init = jax.random.normal(ks[4], (3, H, H), dtype=jnp.float32) * s
    b_init = jnp.zeros((3, H), dtype=jnp.float32)
    W_agg = jax.random.normal(ks[5], (H, H), dtype=jnp.float32) * s
    W_self = jax.random.normal(ks[6], (H, H), dtype=jnp.float32) * s
    b_gnn = jnp.zeros((H,), dtype=jnp.float32)
    W1 = jax.random.normal(ks[7], (H, H), dtype=jnp.float32) * s
    b1 = jnp.zeros((H,), dtype=jnp.float32)
    W2 = jax.random.normal(ks[8], (H, H), dtype=jnp.float32) * s
    b2 = jnp.zeros((H,), dtype=jnp.float32)
    W3 = jax.random.normal(ks[9], (H, 1), dtype=jnp.float32) * s
    b3 = jnp.zeros((1,), dtype=jnp.float32)
    return {
        'init_features': init_features, 'W_init': W_init, 'b_init': b_init,
        'W_agg': W_agg, 'W_self': W_self, 'b_gnn': b_gnn,
        'W1': W1, 'b1': b1, 'W2': W2, 'b2': b2, 'W3': W3, 'b3': b3,
        'node_type': node_type, 'edge_index': edge_index, 'out_idx': out_idx,
    }


def reference(init_features, W_init, b_init, W_agg, W_self, b_gnn,
              W1, b1, W2, b2, W3, b3, node_type, edge_index, out_idx):
    n = node_type.shape[0]
    # get_init_embedding: per-node-type linear on learned init feature,
    # scattered (overwrite) into a zero-initialized node embedding table.
    class_emb = jnp.einsum('th,thk->tk', init_features, W_init) + b_init  # [3, H]
    node_embedding = jnp.zeros((n, H), dtype=class_emb.dtype)
    for i in range(3):
        mask = (node_type == i)[:, None]
        node_embedding = jnp.where(mask, class_emb[i], node_embedding)
    # DeepSAT body (stand-in): one round of gather -> transform -> scatter-add
    # message passing over the AIG edges.
    src = edge_index[0]
    dst = edge_index[1]
    msgs = node_embedding[src] @ W_agg                      # gather + matmul
    agg = jnp.zeros((n, H), dtype=msgs.dtype).at[dst].add(msgs)  # scatter-add
    node_embedding = jax.nn.relu(agg + node_embedding @ W_self + b_gnn)
    # graph_pooling: gather output nodes, MLP readout (num_fc=3), sigmoid
    h = node_embedding[out_idx]
    h = jax.nn.relu(h @ W1 + b1)
    h = jax.nn.relu(h @ W2 + b2)
    out = (h @ W3 + b3).squeeze(-1)
    return jax.nn.sigmoid(out)

if __name__ == "__main__":
    import jax
    _d = setup_inputs()
    print(jax.jit(kernel)(*tuple(_d.values())))

</pallas_src>

<mosaic_0001>
#map = affine_map<(d0, d1) -> (0)>
#map1 = affine_map<(d0, d1) -> (0, 0, 0)>
module attributes {stable_mosaic.version = 14 : i64} {
  func.func @_sc_counts_kernel(%arg0: i32, %arg1: i32, %arg2: memref<10000xi32, #tpu.memory_space<hbm>>, %arg3: memref<640000xi32, #tpu.memory_space<hbm>>, %arg4: memref<2048xi32, #tpu.memory_space<hbm>>, %arg5: memref<32x4x2048xf32, #tpu.memory_space<hbm>>, %arg6: memref<10000xi32, #tpu.memory_space<vmem>>, %arg7: memref<10000xi32, #tpu.memory_space<vmem>>, %arg8: memref<10000xi32, #tpu.memory_space<vmem>>, %arg9: memref<30000xf32, #tpu.memory_space<vmem>>, %arg10: memref<2048xi32, #tpu.memory_space<vmem>>, %arg11: memref<4x2048xf32, #tpu.memory_space<vmem>>, %arg12: memref<!tpu.dma_semaphore, #tpu.memory_space<semaphore_mem>>, %arg13: memref<!tpu.dma_semaphore, #tpu.memory_space<semaphore_mem>>, %arg14: memref<!tpu.dma_semaphore, #tpu.memory_space<semaphore_mem>>, %arg15: memref<!tpu.dma_semaphore, #tpu.memory_space<semaphore_mem>>) attributes {dimension_semantics = [#tpu.dimension_semantics<core_parallel>, #tpu.dimension_semantics<subcore_parallel>], iteration_bounds = array<i64: 2, 16>, scalar_prefetch = 0 : i64, scratch_operands = 10 : i64, tpu.core_type = #tpu.core_type<sc_vector_subcore>, window_params = [{transform_indices = #map}, {transform_indices = #map}, {transform_indices = #map}, {transform_indices = #map1}]} {
    %mul3A = arith.constant 2 : i32
    %mul3A_0 = arith.muli %arg1, %mul3A : i32
    %add3A = arith.addi %mul3A_0, %arg0 : i32
    tpu.enqueue_dma source(%arg2 : memref<10000xi32, #tpu.memory_space<hbm>>) target(%arg6 : memref<10000xi32, #tpu.memory_space<vmem>>) target_semaphore(%arg12 : memref<!tpu.dma_semaphore, #tpu.memory_space<semaphore_mem>>)
    %mul3A_1 = arith.constant 10000 : i32
    %mul3A_2 = arith.muli %add3A, %mul3A_1 : i32
    %dma_start3A = tpu.memref_slice %arg3[%mul3A_2] : memref<640000xi32, #tpu.memory_space<hbm>> -> memref<10000xi32, #tpu.memory_space<hbm>>
    %dma_start3A_3 = tpu.memref_slice %arg3[%mul3A_2] : memref<640000xi32, #tpu.memory_space<hbm>> -> memref<10000xi32, #tpu.memory_space<hbm>>
    tpu.enqueue_dma source(%dma_start3A_3 : memref<10000xi32, #tpu.memory_space<hbm>>) target(%arg7 : memref<10000xi32, #tpu.memory_space<vmem>>) target_semaphore(%arg13 : memref<!tpu.dma_semaphore, #tpu.memory_space<semaphore_mem>>)
    %mul3A_4 = arith.constant 10000 : i32
    %mul3A_5 = arith.muli %add3A, %mul3A_4 : i32
    %add3A_6 = arith.constant 320000 : i32
    %add3A_7 = arith.addi %add3A_6, %mul3A_5 : i32
    %dma_start3A_8 = tpu.memref_slice %arg3[%add3A_7] : memref<640000xi32, #tpu.memory_space<hbm>> -> memref<10000xi32, #tpu.memory_space<hbm>>
    %dma_start3A_9 = tpu.memref_slice %arg3[%add3A_7] : memref<640000xi32, #tpu.memory_space<hbm>> -> memref<10000xi32, #tpu.memory_space<hbm>>
    tpu.enqueue_dma source(%dma_start3A_9 : memref<10000xi32, #tpu.memory_space<hbm>>) target(%arg8 : memref<10000xi32, #tpu.memory_space<vmem>>) target_semaphore(%arg14 : memref<!tpu.dma_semaphore, #tpu.memory_space<semaphore_mem>>)
    tpu.enqueue_dma source(%arg4 : memref<2048xi32, #tpu.memory_space<hbm>>) target(%arg10 : memref<2048xi32, #tpu.memory_space<vmem>>) target_semaphore(%arg15 : memref<!tpu.dma_semaphore, #tpu.memory_space<semaphore_mem>>)
    %broadcast_in_dim3A = arith.constant 0.000000e+00 : f32
    %broadcast_in_dim3A_10 = vector.broadcast %broadcast_in_dim3A : f32 to vector<16xf32>
    %broadcast_in_dim3A_11 = arith.constant 1.000000e+00 : f32
    %broadcast_in_dim3A_12 = vector.broadcast %broadcast_in_dim3A_11 : f32 to vector<16xf32>
    %scan3A = arith.constant 0 : i32
    %scan3A_13 = arith.constant 0 : i32
    %scan3A_14 = arith.constant 234 : i32
    %scan3A_15 = arith.addi %scan3A_13, %scan3A_14 : i32
    %scan3A_16 = arith.constant 1 : i32
    scf.for %scan3A_47 = %scan3A_13 to %scan3A_15 step %scan3A_16  : i32 {
      %mul3A_48 = arith.constant 8 : i32
      %mul3A_49 = arith.muli %scan3A_47, %mul3A_48 : i32
      %add3A_50 = arith.constant 0 : i32
      %add3A_51 = arith.addi %mul3A_49, %add3A_50 : i32
      %mul3A_52 = arith.constant 16 : i32
      %mul3A_53 = arith.muli %add3A_51, %mul3A_52 : i32
      %swap3A_54 = arith.index_cast %mul3A_53 : i32 to index
      %swap3A_55 = tpu.vector_load %arg9[%swap3A_54] {strides = array<i32>} : memref<30000xf32, #tpu.memory_space<vmem>>, vector<16xf32>,
      tpu.vector_store %arg9[%swap3A_54], %broadcast_in_dim3A_10 {strides = array<i32>} : memref<30000xf32, #tpu.memory_space<vmem>>, vector<16xf32>,
      %mul3A_56 = arith.constant 8 : i32
      %mul3A_57 = arith.muli %scan3A_47, %mul3A_56 : i32
      %add3A_58 = arith.constant 1 : i32
      %add3A_59 = arith.addi %mul3A_57, %add3A_58 : i32
      %mul3A_60 = arith.constant 16 : i32
      %mul3A_61 = arith.muli %add3A_59, %mul3A_60 : i32
      %swap3A_62 = arith.index_cast %mul3A_61 : i32 to index
      %swap3A_63 = tpu.vector_load %arg9[%swap3A_62] {strides = array<i32>} : memref<30000xf32, #tpu.memory_space<vmem>>, vector<16xf32>,
      tpu.vector_store %arg9[%swap3A_62], %broadcast_in_dim3A_10 {strides = array<i32>} : memref<30000xf32, #tpu.memory_space<vmem>>, vector<16xf32>,
      %mul3A_64 = arith.constant 8 : i32
      %mul3A_65 = arith.muli %scan3A_47, %mul3A_64 : i32
      %add3A_66 = arith.constant 2 : i32
      %add3A_67 = arith.addi %mul3A_65, %add3A_66 : i32
      %mul3A_68 = arith.constant 16 : i32
      %mul3A_69 = arith.muli %add3A_67, %mul3A_68 : i32
      %swap3A_70 = arith.index_cast %mul3A_69 : i32 to index
      %swap3A_71 = tpu.vector_load %arg9[%swap3A_70] {strides = array<i32>} : memref<30000xf32, #tpu.memory_space<vmem>>, vector<16xf32>,
      tpu.vector_store %arg9[%swap3A_70], %broadcast_in_dim3A_10 {strides = array<i32>} : memref<30000xf32, #tpu.memory_space<vmem>>, vector<16xf32>,
      %mul3A_72 = arith.constant 8 : i32
      %mul3A_73 = arith.muli %scan3A_47, %mul3A_72 : i32
      %add3A_74 = arith.constant 3 : i32
      %add3A_75 = arith.addi %mul3A_73, %add3A_74 : i32
      %mul3A_76 = arith.constant 16 : i32
      %mul3A_77 = arith.muli %add3A_75, %mul3A_76 : i32
      %swap3A_78 = arith.index_cast %mul3A_77 : i32 to index
      %swap3A_79 = tpu.vector_load %arg9[%swap3A_78] {strides = array<i32>} : memref<30000xf32, #tpu.memory_space<vmem>>, vector<16xf32>,
      tpu.vector_store %arg9[%swap3A_78], %broadcast_in_dim3A_10 {strides = array<i32>} : memref<30000xf32, #tpu.memory_space<vmem>>, vector<16xf32>,
      %mul3A_80 = arith.constant 8 : i32
      %mul3A_81 = arith.muli %scan3A_47, %mul3A_80 : i32
      %add3A_82 = arith.constant 4 : i32
      %add3A_83 = arith.addi %mul3A_81, %add3A_82 : i32
      %mul3A_84 = arith.constant 16 : i32
      %mul3A_85 = arith.muli %add3A_83, %mul3A_84 : i32
      %swap3A_86 = arith.index_cast %mul3A_85 : i32 to index
      %swap3A_87 = tpu.vector_load %arg9[%swap3A_86] {strides = array<i32>} : memref<30000xf32, #tpu.memory_space<vmem>>, vector<16xf32>,
      tpu.vector_store %arg9[%swap3A_86], %broadcast_in_dim3A_10 {strides = array<i32>} : memref<30000xf32, #tpu.memory_space<vmem>>, vector<16xf32>,
      %mul3A_88 = arith.constant 8 : i32
      %mul3A_89 = arith.muli %scan3A_47, %mul3A_88 : i32
      %add3A_90 = arith.constant 5 : i32
      %add3A_91 = arith.addi %mul3A_89, %add3A_90 : i32
      %mul3A_92 = arith.constant 16 : i32
      %mul3A_93 = arith.muli %add3A_91, %mul3A_92 : i32
      %swap3A_94 = arith.index_cast %mul3A_93 : i32 to index
      %swap3A_95 = tpu.vector_load %arg9[%swap3A_94] {strides = array<i32>} : memref<30000xf32, #tpu.memory_space<vmem>>, vector<16xf32>,
      tpu.vector_store %arg9[%swap3A_94], %broadcast_in_dim3A_10 {strides = array<i32>} : memref<30000xf32, #tpu.memory_space<vmem>>, vector<16xf32>,
      %mul3A_96 = arith.constant 8 : i32
      %mul3A_97 = arith.muli %scan3A_47, %mul3A_96 : i32
      %add3A_98 = arith.constant 6 : i32
      %add3A_99 = arith.addi %mul3A_97, %add3A_98 : i32
      %mul3A_100 = arith.constant 16 : i32
      %mul3A_101 = arith.muli %add3A_99, %mul3A_100 : i32
      %swap3A_102 = arith.index_cast %mul3A_101 : i32 to index
      %swap3A_103 = tpu.vector_load %arg9[%swap3A_102] {strides = array<i32>} : memref<30000xf32, #tpu.memory_space<vmem>>, vector<16xf32>,
      tpu.vector_store %arg9[%swap3A_102], %broadcast_in_dim3A_10 {strides = array<i32>} : memref<30000xf32, #tpu.memory_space<vmem>>, vector<16xf32>,
      %mul3A_104 = arith.constant 8 : i32
      %mul3A_105 = arith.muli %scan3A_47, %mul3A_104 : i32
      %add3A_106 = arith.constant 7 : i32
      %add3A_107 = arith.addi %mul3A_105, %add3A_106 : i32
      %mul3A_108 = arith.constant 16 : i32
      %mul3A_109 = arith.muli %add3A_107, %mul3A_108 : i32
      %swap3A_110 = arith.index_cast %mul3A_109 : i32 to index
      %swap3A_111 = tpu.vector_load %arg9[%swap3A_110] {strides = array<i32>} : memref<30000xf32, #tpu.memory_space<vmem>>, vector<16xf32>,
      tpu.vector_store %arg9[%swap3A_110], %broadcast_in_dim3A_10 {strides = array<i32>} : memref<30000xf32, #tpu.memory_space<vmem>>, vector<16xf32>,
    }
    %scan3A_17 = arith.constant 234 : i32
    %swap3A = arith.constant 29952 : index
    %swap3A_18 = tpu.vector_load %arg9[%swap3A] {strides = array<i32>} : memref<30000xf32, #tpu.memory_space<vmem>>, vector<16xf32>,
    tpu.vector_store %arg9[%swap3A], %broadcast_in_dim3A_10 {strides = array<i32>} : memref<30000xf32, #tpu.memory_space<vmem>>, vector<16xf32>,
    %swap3A_19 = arith.constant 29968 : index
    %swap3A_20 = tpu.vector_load %arg9[%swap3A_19] {strides = array<i32>} : memref<30000xf32, #tpu.memory_space<vmem>>, vector<16xf32>,
    tpu.vector_store %arg9[%swap3A_19], %broadcast_in_dim3A_10 {strides = array<i32>} : memref<30000xf32, #tpu.memory_space<vmem>>, vector<16xf32>,
    %swap3A_21 = arith.constant 29984 : index
    %swap3A_22 = tpu.vector_load %arg9[%swap3A_21] {strides = array<i32>} : memref<30000xf32, #tpu.memory_space<vmem>>, vector<16xf32>,
    tpu.vector_store %arg9[%swap3A_21], %broadcast_in_dim3A_10 {strides = array<i32>} : memref<30000xf32, #tpu.memory_space<vmem>>, vector<16xf32>,
    tpu.wait_dma2 semaphore(%arg12 : memref<!tpu.dma_semaphore, #tpu.memory_space<semaphore_mem>>) src(%arg2 : memref<10000xi32, #tpu.memory_space<hbm>>) dst(%arg6 : memref<10000xi32, #tpu.memory_space<vmem>>)
    %dma_wait3A = tpu.memref_slice %arg3[%mul3A_2] : memref<640000xi32, #tpu.memory_space<hbm>> -> memref<10000xi32, #tpu.memory_space<hbm>>
    %dma_wait3A_23 = tpu.memref_slice %arg3[%mul3A_2] : memref<640000xi32, #tpu.memory_space<hbm>> -> memref<10000xi32, #tpu.memory_space<hbm>>
    tpu.wait_dma2 semaphore(%arg13 : memref<!tpu.dma_semaphore, #tpu.memory_space<semaphore_mem>>) src(%dma_wait3A_23 : memref<10000xi32, #tpu.memory_space<hbm>>) dst(%arg7 : memref<10000xi32, #tpu.memory_space<vmem>>)
    %dma_wait3A_24 = tpu.memref_slice %arg3[%add3A_7] : memref<640000xi32, #tpu.memory_space<hbm>> -> memref<10000xi32, #tpu.memory_space<hbm>>
    %dma_wait3A_25 = tpu.memref_slice %arg3[%add3A_7] : memref<640000xi32, #tpu.memory_space<hbm>> -> memref<10000xi32, #tpu.memory_space<hbm>>
    tpu.wait_dma2 semaphore(%arg14 : memref<!tpu.dma_semaphore, #tpu.memory_space<semaphore_mem>>) src(%dma_wait3A_25 : memref<10000xi32, #tpu.memory_space<hbm>>) dst(%arg8 : memref<10000xi32, #tpu.memory_space<vmem>>)
    tpu.wait_dma2 semaphore(%arg15 : memref<!tpu.dma_semaphore, #tpu.memory_space<semaphore_mem>>) src(%arg4 : memref<2048xi32, #tpu.memory_space<hbm>>) dst(%arg10 : memref<2048xi32, #tpu.memory_space<vmem>>)
    %scan3A_26 = arith.constant 0 : i32
    %scan3A_27 = arith.constant 0 : i32
    %scan3A_28 = arith.constant 78 : i32
    %scan3A_29 = arith.addi %scan3A_27, %scan3A_28 : i32
    %scan3A_30 = arith.constant 1 : i32
    scf.for %scan3A_47 = %scan3A_27 to %scan3A_29 step %scan3A_30  : i32 {
      %mul3A_48 = arith.constant 8 : i32
      %mul3A_49 = arith.muli %scan3A_47, %mul3A_48 : i32
      %add3A_50 = arith.constant 0 : i32
      %add3A_51 = arith.addi %mul3A_49, %add3A_50 : i32
      %mul3A_52 = arith.constant 16 : i32
      %mul3A_53 = arith.muli %add3A_51, %mul3A_52 : i32
      %get3A_54 = arith.index_cast %mul3A_53 : i32 to index
      %get3A_55 = tpu.vector_load %arg7[%get3A_54] {strides = array<i32>} : memref<10000xi32, #tpu.memory_space<vmem>>, vector<16xi32>,
      %mul3A_56 = arith.constant 16 : i32
      %mul3A_57 = arith.muli %add3A_51, %mul3A_56 : i32
      %get3A_58 = arith.index_cast %mul3A_57 : i32 to index
      %get3A_59 = tpu.vector_load %arg8[%get3A_58] {strides = array<i32>} : memref<10000xi32, #tpu.memory_space<vmem>>, vector<16xi32>,
      %gather3A_60 = tpu.vector_load_idx %arg6[%get3A_55] : memref<10000xi32, #tpu.memory_space<vmem>>[vector<16xi32>], vector<16xi32>,
      %mul3A_61 = arith.constant 3 : i32
      %mul3A_62 = vector.broadcast %mul3A_61 : i32 to vector<16xi32>
      %mul3A_63 = arith.muli %get3A_59, %mul3A_62 : vector<16xi32>
      %add3A_64 = arith.addi %mul3A_63, %gather3A_60 : vector<16xi32>
      tpu.vector_store_idx %arg9[%add3A_64], %broadcast_in_dim3A_12 {add = true} : memref<30000xf32, #tpu.memory_space<vmem>>[vector<16xi32>], vector<16xf32>,
      %mul3A_65 = arith.constant 8 : i32
      %mul3A_66 = arith.muli %scan3A_47, %mul3A_65 : i32
      %add3A_67 = arith.constant 1 : i32
      %add3A_68 = arith.addi %mul3A_66, %add3A_67 : i32
      %mul3A_69 = arith.constant 16 : i32
      %mul3A_70 = arith.muli %add3A_68, %mul3A_69 : i32
      %get3A_71 = arith.index_cast %mul3A_70 : i32 to index
      %get3A_72 = tpu.vector_load %arg7[%get3A_71] {strides = array<i32>} : memref<10000xi32, #tpu.memory_space<vmem>>, vector<16xi32>,
      %mul3A_73 = arith.constant 16 : i32
      %mul3A_74 = arith.muli %add3A_68, %mul3A_73 : i32
      %get3A_75 = arith.index_cast %mul3A_74 : i32 to index
      %get3A_76 = tpu.vector_load %arg8[%get3A_75] {strides = array<i32>} : memref<10000xi32, #tpu.memory_space<vmem>>, vector<16xi32>,
      %gather3A_77 = tpu.vector_load_idx %arg6[%get3A_72] : memref<10000xi32, #tpu.memory_space<vmem>>[vector<16xi32>], vector<16xi32>,
      %mul3A_78 = arith.constant 3 : i32
      %mul3A_79 = vector.broadcast %mul3A_78 : i32 to vector<16xi32>
      %mul3A_80 = arith.muli %get3A_76, %mul3A_79 : vector<16xi32>
      %add3A_81 = arith.addi %mul3A_80, %gather3A_77 : vector<16xi32>
      tpu.vector_store_idx %arg9[%add3A_81], %broadcast_in_dim3A_12 {add = true} : memref<30000xf32, #tpu.memory_space<vmem>>[vector<16xi32>], vector<16xf32>,
      %mul3A_82 = arith.constant 8 : i32
      %mul3A_83 = arith.muli %scan3A_47, %mul3A_82 : i32
      %add3A_84 = arith.constant 2 : i32
      %add3A_85 = arith.addi %mul3A_83, %add3A_84 : i32
      %mul3A_86 = arith.constant 16 : i32
      %mul3A_87 = arith.muli %add3A_85, %mul3A_86 : i32
      %get3A_88 = arith.index_cast %mul3A_87 : i32 to index
      %get3A_89 = tpu.vector_load %arg7[%get3A_88] {strides = array<i32>} : memref<10000xi32, #tpu.memory_space<vmem>>, vector<16xi32>,
      %mul3A_90 = arith.constant 16 : i32
      %mul3A_91 = arith.muli %add3A_85, %mul3A_90 : i32
      %get3A_92 = arith.index_cast %mul3A_91 : i32 to index
      %get3A_93 = tpu.vector_load %arg8[%get3A_92] {strides = array<i32>} : memref<10000xi32, #tpu.memory_space<vmem>>, vector<16xi32>,
      %gather3A_94 = tpu.vector_load_idx %arg6[%get3A_89] : memref<10000xi32, #tpu.memory_space<vmem>>[vector<16xi32>], vector<16xi32>,
      %mul3A_95 = arith.constant 3 : i32
      %mul3A_96 = vector.broadcast %mul3A_95 : i32 to vector<16xi32>
      %mul3A_97 = arith.muli %get3A_93, %mul3A_96 : vector<16xi32>
      %add3A_98 = arith.addi %mul3A_97, %gather3A_94 : vector<16xi32>
      tpu.vector_store_idx %arg9[%add3A_98], %broadcast_in_dim3A_12 {add = true} : memref<30000xf32, #tpu.memory_space<vmem>>[vector<16xi32>], vector<16xf32>,
      %mul3A_99 = arith.constant 8 : i32
      %mul3A_100 = arith.muli %scan3A_47, %mul3A_99 : i32
      %add3A_101 = arith.constant 3 : i32
      %add3A_102 = arith.addi %mul3A_100, %add3A_101 : i32
      %mul3A_103 = arith.constant 16 : i32
      %mul3A_104 = arith.muli %add3A_102, %mul3A_103 : i32
      %get3A_105 = arith.index_cast %mul3A_104 : i32 to index
      %get3A_106 = tpu.vector_load %arg7[%get3A_105] {strides = array<i32>} : memref<10000xi32, #tpu.memory_space<vmem>>, vector<16xi32>,
      %mul3A_107 = arith.constant 16 : i32
      %mul3A_108 = arith.muli %add3A_102, %mul3A_107 : i32
      %get3A_109 = arith.index_cast %mul3A_108 : i32 to index
      %get3A_110 = tpu.vector_load %arg8[%get3A_109] {strides = array<i32>} : memref<10000xi32, #tpu.memory_space<vmem>>, vector<16xi32>,
      %gather3A_111 = tpu.vector_load_idx %arg6[%get3A_106] : memref<10000xi32, #tpu.memory_space<vmem>>[vector<16xi32>], vector<16xi32>,
      %mul3A_112 = arith.constant 3 : i32
      %mul3A_113 = vector.broadcast %mul3A_112 : i32 to vector<16xi32>
      %mul3A_114 = arith.muli %get3A_110, %mul3A_113 : vector<16xi32>
      %add3A_115 = arith.addi %mul3A_114, %gather3A_111 : vector<16xi32>
      tpu.vector_store_idx %arg9[%add3A_115], %broadcast_in_dim3A_12 {add = true} : memref<30000xf32, #tpu.memory_space<vmem>>[vector<16xi32>], vector<16xf32>,
      %mul3A_116 = arith.constant 8 : i32
      %mul3A_117 = arith.muli %scan3A_47, %mul3A_116 : i32
      %add3A_118 = arith.constant 4 : i32
      %add3A_119 = arith.addi %mul3A_117, %add3A_118 : i32
      %mul3A_120 = arith.constant 16 : i32
      %mul3A_121 = arith.muli %add3A_119, %mul3A_120 : i32
      %get3A_122 = arith.index_cast %mul3A_121 : i32 to index
      %get3A_123 = tpu.vector_load %arg7[%get3A_122] {strides = array<i32>} : memref<10000xi32, #tpu.memory_space<vmem>>, vector<16xi32>,
      %mul3A_124 = arith.constant 16 : i32
      %mul3A_125 = arith.muli %add3A_119, %mul3A_124 : i32
      %get3A_126 = arith.index_cast %mul3A_125 : i32 to index
      %get3A_127 = tpu.vector_load %arg8[%get3A_126] {strides = array<i32>} : memref<10000xi32, #tpu.memory_space<vmem>>, vector<16xi32>,
      %gather3A_128 = tpu.vector_load_idx %arg6[%get3A_123] : memref<10000xi32, #tpu.memory_space<vmem>>[vector<16xi32>], vector<16xi32>,
      %mul3A_129 = arith.constant 3 : i32
      %mul3A_130 = vector.broadcast %mul3A_129 : i32 to vector<16xi32>
      %mul3A_131 = arith.muli %get3A_127, %mul3A_130 : vector<16xi32>
      %add3A_132 = arith.addi %mul3A_131, %gather3A_128 : vector<16xi32>
      tpu.vector_store_idx %arg9[%add3A_132], %broadcast_in_dim3A_12 {add = true} : memref<30000xf32, #tpu.memory_space<vmem>>[vector<16xi32>], vector<16xf32>,
      %mul3A_133 = arith.constant 8 : i32
      %mul3A_134 = arith.muli %scan3A_47, %mul3A_133 : i32
      %add3A_135 = arith.constant 5 : i32
      %add3A_136 = arith.addi %mul3A_134, %add3A_135 : i32
      %mul3A_137 = arith.constant 16 : i32
      %mul3A_138 = arith.muli %add3A_136, %mul3A_137 : i32
      %get3A_139 = arith.index_cast %mul3A_138 : i32 to index
      %get3A_140 = tpu.vector_load %arg7[%get3A_139] {strides = array<i32>} : memref<10000xi32, #tpu.memory_space<vmem>>, vector<16xi32>,
      %mul3A_141 = arith.constant 16 : i32
      %mul3A_142 = arith.muli %add3A_136, %mul3A_141 : i32
      %get3A_143 = arith.index_cast %mul3A_142 : i32 to index
      %get3A_144 = tpu.vector_load %arg8[%get3A_143] {strides = array<i32>} : memref<10000xi32, #tpu.memory_space<vmem>>, vector<16xi32>,
      %gather3A_145 = tpu.vector_load_idx %arg6[%get3A_140] : memref<10000xi32, #tpu.memory_space<vmem>>[vector<16xi32>], vector<16xi32>,
      %mul3A_146 = arith.constant 3 : i32
      %mul3A_147 = vector.broadcast %mul3A_146 : i32 to vector<16xi32>
      %mul3A_148 = arith.muli %get3A_144, %mul3A_147 : vector<16xi32>
      %add3A_149 = arith.addi %mul3A_148, %gather3A_145 : vector<16xi32>
      tpu.vector_store_idx %arg9[%add3A_149], %broadcast_in_dim3A_12 {add = true} : memref<30000xf32, #tpu.memory_space<vmem>>[vector<16xi32>], vector<16xf32>,
      %mul3A_150 = arith.constant 8 : i32
      %mul3A_151 = arith.muli %scan3A_47, %mul3A_150 : i32
      %add3A_152 = arith.constant 6 : i32
      %add3A_153 = arith.addi %mul3A_151, %add3A_152 : i32
      %mul3A_154 = arith.constant 16 : i32
      %mul3A_155 = arith.muli %add3A_153, %mul3A_154 : i32
      %get3A_156 = arith.index_cast %mul3A_155 : i32 to index
      %get3A_157 = tpu.vector_load %arg7[%get3A_156] {strides = array<i32>} : memref<10000xi32, #tpu.memory_space<vmem>>, vector<16xi32>,
      %mul3A_158 = arith.constant 16 : i32
      %mul3A_159 = arith.muli %add3A_153, %mul3A_158 : i32
      %get3A_160 = arith.index_cast %mul3A_159 : i32 to index
      %get3A_161 = tpu.vector_load %arg8[%get3A_160] {strides = array<i32>} : memref<10000xi32, #tpu.memory_space<vmem>>, vector<16xi32>,
      %gather3A_162 = tpu.vector_load_idx %arg6[%get3A_157] : memref<10000xi32, #tpu.memory_space<vmem>>[vector<16xi32>], vector<16xi32>,
      %mul3A_163 = arith.constant 3 : i32
      %mul3A_164 = vector.broadcast %mul3A_163 : i32 to vector<16xi32>
      %mul3A_165 = arith.muli %get3A_161, %mul3A_164 : vector<16xi32>
      %add3A_166 = arith.addi %mul3A_165, %gather3A_162 : vector<16xi32>
      tpu.vector_store_idx %arg9[%add3A_166], %broadcast_in_dim3A_12 {add = true} : memref<30000xf32, #tpu.memory_space<vmem>>[vector<16xi32>], vector<16xf32>,
      %mul3A_167 = arith.constant 8 : i32
      %mul3A_168 = arith.muli %scan3A_47, %mul3A_167 : i32
      %add3A_169 = arith.constant 7 : i32
      %add3A_170 = arith.addi %mul3A_168, %add3A_169 : i32
      %mul3A_171 = arith.constant 16 : i32
      %mul3A_172 = arith.muli %add3A_170, %mul3A_171 : i32
      %get3A_173 = arith.index_cast %mul3A_172 : i32 to index
      %get3A_174 = tpu.vector_load %arg7[%get3A_173] {strides = array<i32>} : memref<10000xi32, #tpu.memory_space<vmem>>, vector<16xi32>,
      %mul3A_175 = arith.constant 16 : i32
      %mul3A_176 = arith.muli %add3A_170, %mul3A_175 : i32
      %get3A_177 = arith.index_cast %mul3A_176 : i32 to index
      %get3A_178 = tpu.vector_load %arg8[%get3A_177] {strides = array<i32>} : memref<10000xi32, #tpu.memory_space<vmem>>, vector<16xi32>,
      %gather3A_179 = tpu.vector_load_idx %arg6[%get3A_174] : memref<10000xi32, #tpu.memory_space<vmem>>[vector<16xi32>], vector<16xi32>,
      %mul3A_180 = arith.constant 3 : i32
      %mul3A_181 = vector.broadcast %mul3A_180 : i32 to vector<16xi32>
      %mul3A_182 = arith.muli %get3A_178, %mul3A_181 : vector<16xi32>
      %add3A_183 = arith.addi %mul3A_182, %gather3A_179 : vector<16xi32>
      tpu.vector_store_idx %arg9[%add3A_183], %broadcast_in_dim3A_12 {add = true} : memref<30000xf32, #tpu.memory_space<vmem>>[vector<16xi32>], vector<16xf32>,
    }
    %scan3A_31 = arith.constant 78 : i32
    %get3A = arith.constant 9984 : index
    %get3A_32 = tpu.vector_load %arg7[%get3A] {strides = array<i32>} : memref<10000xi32, #tpu.memory_space<vmem>>, vector<16xi32>,
    %get3A_33 = arith.constant 9984 : index
    %get3A_34 = tpu.vector_load %arg8[%get3A_33] {strides = array<i32>} : memref<10000xi32, #tpu.memory_space<vmem>>, vector<16xi32>,
    %gather3A = tpu.vector_load_idx %arg6[%get3A_32] : memref<10000xi32, #tpu.memory_space<vmem>>[vector<16xi32>], vector<16xi32>,
    %mul3A_35 = arith.constant 3 : i32
    %mul3A_36 = vector.broadcast %mul3A_35 : i32 to vector<16xi32>
    %mul3A_37 = arith.muli %get3A_34, %mul3A_36 : vector<16xi32>
    %add3A_38 = arith.addi %mul3A_37, %gather3A : vector<16xi32>
    tpu.vector_store_idx %arg9[%add3A_38], %broadcast_in_dim3A_12 {add = true} : memref<30000xf32, #tpu.memory_space<vmem>>[vector<16xi32>], vector<16xf32>,
    %eq3A = arith.constant 0 : i32
    %eq3A_39 = arith.cmpi eq, %add3A, %eq3A : i32
    %jit3A = arith.constant 1.000000e+00 : f32
    %jit3A_40 = arith.constant 0.000000e+00 : f32
    %select_n3A = arith.select %eq3A_39, %jit3A, %jit3A_40 : f32
    %scan3A_41 = arith.constant 0 : i32
    %scan3A_42 = arith.constant 0 : i32
    %scan3A_43 = arith.constant 128 : i32
    %scan3A_44 = arith.addi %scan3A_42, %scan3A_43 : i32
    %scan3A_45 = arith.constant 1 : i32
    scf.for %scan3A_47 = %scan3A_42 to %scan3A_44 step %scan3A_45  : i32 {
      %mul3A_48 = arith.constant 16 : i32
      %mul3A_49 = arith.muli %scan3A_47, %mul3A_48 : i32
      %get3A_50 = arith.index_cast %mul3A_49 : i32 to index
      %get3A_51 = tpu.vector_load %arg10[%get3A_50] {strides = array<i32>} : memref<2048xi32, #tpu.memory_space<vmem>>, vector<16xi32>,
      %gather3A_52 = tpu.vector_load_idx %arg6[%get3A_51] : memref<10000xi32, #tpu.memory_space<vmem>>[vector<16xi32>], vector<16xi32>,
      %mul3A_53 = arith.constant 3 : i32
      %mul3A_54 = vector.broadcast %mul3A_53 : i32 to vector<16xi32>
      %mul3A_55 = arith.muli %get3A_51, %mul3A_54 : vector<16xi32>
      %gather3A_56 = tpu.vector_load_idx %arg9[%mul3A_55] : memref<30000xf32, #tpu.memory_space<vmem>>[vector<16xi32>], vector<16xf32>,
      %add3A_57 = arith.constant 1 : i32
      %add3A_58 = vector.broadcast %add3A_57 : i32 to vector<16xi32>
      %add3A_59 = arith.addi %mul3A_55, %add3A_58 : vector<16xi32>
      %gather3A_60 = tpu.vector_load_idx %arg9[%add3A_59] : memref<30000xf32, #tpu.memory_space<vmem>>[vector<16xi32>], vector<16xf32>,
      %add3A_61 = arith.constant 2 : i32
      %add3A_62 = vector.broadcast %add3A_61 : i32 to vector<16xi32>
      %add3A_63 = arith.addi %mul3A_55, %add3A_62 : vector<16xi32>
      %gather3A_64 = tpu.vector_load_idx %arg9[%add3A_63] : memref<30000xf32, #tpu.memory_space<vmem>>[vector<16xi32>], vector<16xf32>,
      %mul3A_65 = arith.constant 16 : i32
      %mul3A_66 = arith.muli %scan3A_47, %mul3A_65 : i32
      %swap3A_67 = arith.constant 0 : i32
      %swap3A_68 = arith.index_cast %swap3A_67 : i32 to index
      %swap3A_69 = arith.index_cast %mul3A_66 : i32 to index
      %swap3A_70 = tpu.vector_load %arg11[%swap3A_68, %swap3A_69] {strides = array<i32>} : memref<4x2048xf32, #tpu.memory_space<vmem>>, vector<16xf32>,
      tpu.vector_store %arg11[%swap3A_68, %swap3A_69], %gather3A_56 {strides = array<i32>} : memref<4x2048xf32, #tpu.memory_space<vmem>>, vector<16xf32>,
      %mul3A_71 = arith.constant 16 : i32
      %mul3A_72 = arith.muli %scan3A_47, %mul3A_71 : i32
      %swap3A_73 = arith.constant 1 : i32
      %swap3A_74 = arith.index_cast %swap3A_73 : i32 to index
      %swap3A_75 = arith.index_cast %mul3A_72 : i32 to index
      %swap3A_76 = tpu.vector_load %arg11[%swap3A_74, %swap3A_75] {strides = array<i32>} : memref<4x2048xf32, #tpu.memory_space<vmem>>, vector<16xf32>,
      tpu.vector_store %arg11[%swap3A_74, %swap3A_75], %gather3A_60 {strides = array<i32>} : memref<4x2048xf32, #tpu.memory_space<vmem>>, vector<16xf32>,
      %mul3A_77 = arith.constant 16 : i32
      %mul3A_78 = arith.muli %scan3A_47, %mul3A_77 : i32
      %swap3A_79 = arith.constant 2 : i32
      %swap3A_80 = arith.index_cast %swap3A_79 : i32 to index
      %swap3A_81 = arith.index_cast %mul3A_78 : i32 to index
      %swap3A_82 = tpu.vector_load %arg11[%swap3A_80, %swap3A_81] {strides = array<i32>} : memref<4x2048xf32, #tpu.memory_space<vmem>>, vector<16xf32>,
      tpu.vector_store %arg11[%swap3A_80, %swap3A_81], %gather3A_64 {strides = array<i32>} : memref<4x2048xf32, #tpu.memory_space<vmem>>, vector<16xf32>,
      %convert_element_type3A = arith.sitofp %gather3A_52 : vector<16xi32> to vector<16xf32>
      %mul3A_83 = vector.broadcast %select_n3A : f32 to vector<16xf32>
      %mul3A_84 = arith.mulf %convert_element_type3A, %mul3A_83 : vector<16xf32>
      %mul3A_85 = arith.constant 16 : i32
      %mul3A_86 = arith.muli %scan3A_47, %mul3A_85 : i32
      %swap3A_87 = arith.constant 3 : i32
      %swap3A_88 = arith.index_cast %swap3A_87 : i32 to index
      %swap3A_89 = arith.index_cast %mul3A_86 : i32 to index
      %swap3A_90 = tpu.vector_load %arg11[%swap3A_88, %swap3A_89] {strides = array<i32>} : memref<4x2048xf32, #tpu.memory_space<vmem>>, vector<16xf32>,
      tpu.vector_store %arg11[%swap3A_88, %swap3A_89], %mul3A_84 {strides = array<i32>} : memref<4x2048xf32, #tpu.memory_space<vmem>>, vector<16xf32>,
    }
    %scan3A_46 = arith.constant 128 : i32
    "tpu.region"() ({
      %run_scoped3A = tpu.sem_alloc : memref<!tpu.dma_semaphore, #tpu.memory_space<semaphore_mem>>
      %dma_start3A_47 = arith.constant 0 : i32
      %dma_start3A_48 = arith.constant 0 : i32
      %dma_start3A_49 = tpu.memref_slice %arg5[%add3A, %dma_start3A_47, %dma_start3A_48] : memref<32x4x2048xf32, #tpu.memory_space<hbm>> -> memref<1x4x2048xf32, #tpu.memory_space<hbm>>
      %dma_start3A_50 = tpu.memref_squeeze %dma_start3A_49 : memref<1x4x2048xf32, #tpu.memory_space<hbm>> -> memref<4x2048xf32, #tpu.memory_space<hbm>>
      %dma_start3A_51 = arith.constant 0 : i32
      %dma_start3A_52 = arith.constant 0 : i32
      %dma_start3A_53 = tpu.memref_slice %arg5[%add3A, %dma_start3A_51, %dma_start3A_52] : memref<32x4x2048xf32, #tpu.memory_space<hbm>> -> memref<1x4x2048xf32, #tpu.memory_space<hbm>>
      %dma_start3A_54 = tpu.memref_squeeze %dma_start3A_53 : memref<1x4x2048xf32, #tpu.memory_space<hbm>> -> memref<4x2048xf32, #tpu.memory_space<hbm>>
      tpu.enqueue_dma source(%arg11 : memref<4x2048xf32, #tpu.memory_space<vmem>>) target(%dma_start3A_54 : memref<4x2048xf32, #tpu.memory_space<hbm>>) target_semaphore(%run_scoped3A : memref<!tpu.dma_semaphore, #tpu.memory_space<semaphore_mem>>)
      %dma_wait3A_55 = arith.constant 0 : i32
      %dma_wait3A_56 = arith.constant 0 : i32
      %dma_wait3A_57 = tpu.memref_slice %arg5[%add3A, %dma_wait3A_55, %dma_wait3A_56] : memref<32x4x2048xf32, #tpu.memory_space<hbm>> -> memref<1x4x2048xf32, #tpu.memory_space<hbm>>
      %dma_wait3A_58 = tpu.memref_squeeze %dma_wait3A_57 : memref<1x4x2048xf32, #tpu.memory_space<hbm>> -> memref<4x2048xf32, #tpu.memory_space<hbm>>
      %dma_wait3A_59 = arith.constant 0 : i32
      %dma_wait3A_60 = arith.constant 0 : i32
      %dma_wait3A_61 = tpu.memref_slice %arg5[%add3A, %dma_wait3A_59, %dma_wait3A_60] : memref<32x4x2048xf32, #tpu.memory_space<hbm>> -> memref<1x4x2048xf32, #tpu.memory_space<hbm>>
      %dma_wait3A_62 = tpu.memref_squeeze %dma_wait3A_61 : memref<1x4x2048xf32, #tpu.memory_space<hbm>> -> memref<4x2048xf32, #tpu.memory_space<hbm>>
      tpu.wait_dma2 semaphore(%run_scoped3A : memref<!tpu.dma_semaphore, #tpu.memory_space<semaphore_mem>>) src(%arg11 : memref<4x2048xf32, #tpu.memory_space<vmem>>) dst(%dma_wait3A_62 : memref<4x2048xf32, #tpu.memory_space<hbm>>)
      tpu.yield
    }) : () -> ()
    return
  }
}

module attributes {stable_mosaic.version = 14 : i64} {
  func.func @_tc_mlp_kernel(%arg0: memref<32x4x2048xf32, #tpu.memory_space<vmem>>, %arg1: memref<3x128xf32, #tpu.memory_space<vmem>>, %arg2: memref<3x128x128xf32, #tpu.memory_space<vmem>>, %arg3: memref<3x128xf32, #tpu.memory_space<vmem>>, %arg4: memref<128x128xf32, #tpu.memory_space<vmem>>, %arg5: memref<128x128xf32, #tpu.memory_space<vmem>>, %arg6: memref<128x1xf32, #tpu.memory_space<vmem>>, %arg7: memref<128x128xf32, #tpu.memory_space<vmem>>, %arg8: memref<128x1xf32, #tpu.memory_space<vmem>>, %arg9: memref<128x128xf32, #tpu.memory_space<vmem>>, %arg10: memref<128x1xf32, #tpu.memory_space<vmem>>, %arg11: memref<128x1xf32, #tpu.memory_space<vmem>>, %arg12: memref<1x1xf32, #tpu.memory_space<vmem>>, %arg13: memref<1x2048xf32, #tpu.memory_space<vmem>>) attributes {dimension_semantics = [], scalar_prefetch = 0 : i64, scratch_operands = 0 : i64, tpu.core_type = #tpu.core_type<tc>} {
    %get3A = arith.constant 0 : index
    %get3A_0 = arith.constant 0 : index
    %get3A_1 = arith.constant 0 : index
    %get3A_2 = vector.load %arg0[%get3A, %get3A_0, %get3A_1] : memref<32x4x2048xf32, #tpu.memory_space<vmem>>, vector<32x4x2048xf32>
    %reduce_sum3A = arith.constant dense<0.000000e+00> : vector<4x2048xf32>
    %reduce_sum3A_3 = vector.multi_reduction <add>, %get3A_2, %reduce_sum3A [0] : vector<32x4x2048xf32> to vector<4x2048xf32>
    %slice3A = vector.extract_strided_slice %reduce_sum3A_3 {offsets = [0, 0], sizes = [3, 2048], strides = [1, 1]} : vector<4x2048xf32> to vector<3x2048xf32>
    %slice3A_4 = vector.extract_strided_slice %reduce_sum3A_3 {offsets = [3, 0], sizes = [1, 2048], strides = [1, 1]} : vector<4x2048xf32> to vector<1x2048xf32>
    %get3A_5 = arith.constant 0 : index
    %get3A_6 = arith.constant 0 : index
    %get3A_7 = vector.load %arg1[%get3A_5, %get3A_6] : memref<3x128xf32, #tpu.memory_space<vmem>>, vector<3x128xf32>
    %get3A_8 = arith.constant 0 : index
    %get3A_9 = arith.constant 0 : index
    %get3A_10 = arith.constant 0 : index
    %get3A_11 = vector.load %arg2[%get3A_8, %get3A_9, %get3A_10] : memref<3x128x128xf32, #tpu.memory_space<vmem>>, vector<3x128x128xf32>
    %slice3A_12 = vector.extract_strided_slice %get3A_7 {offsets = [0, 0], sizes = [1, 128], strides = [1, 1]} : vector<3x128xf32> to vector<1x128xf32>
    %slice3A_13 = vector.extract_strided_slice %get3A_11 {offsets = [0, 0, 0], sizes = [1, 128, 128], strides = [1, 1, 1]} : vector<3x128x128xf32> to vector<1x128x128xf32>
    %squeeze3A = vector.shape_cast %slice3A_13 : vector<1x128x128xf32> to vector<128x128xf32>
    %convert_element_type3A = arith.truncf %slice3A_12 : vector<1x128xf32> to vector<1x128xbf16>
    %convert_element_type3A_14 = arith.truncf %squeeze3A : vector<128x128xf32> to vector<128x128xbf16>
    %dot_general3A = arith.constant dense<0.000000e+00> : vector<1x128xf32>
    %dot_general3A_15 = tpu.matmul %convert_element_type3A, %convert_element_type3A_14, %dot_general3A {dimension_numbers = #tpu.dot_dimension_numbers<[1], [0], [0], [1], [0, 0, 1, 1], [], []>, transpose_lhs_hint = false} : vector<1x128xbf16>, vector<128x128xbf16>, vector<1x128xf32> -> vector<1x128xf32>
    %slice3A_16 = vector.extract_strided_slice %get3A_7 {offsets = [1, 0], sizes = [1, 128], strides = [1, 1]} : vector<3x128xf32> to vector<1x128xf32>
    %slice3A_17 = vector.extract_strided_slice %get3A_11 {offsets = [1, 0, 0], sizes = [1, 128, 128], strides = [1, 1, 1]} : vector<3x128x128xf32> to vector<1x128x128xf32>
    %squeeze3A_18 = vector.shape_cast %slice3A_17 : vector<1x128x128xf32> to vector<128x128xf32>
    %convert_element_type3A_19 = arith.truncf %slice3A_16 : vector<1x128xf32> to vector<1x128xbf16>
    %convert_element_type3A_20 = arith.truncf %squeeze3A_18 : vector<128x128xf32> to vector<128x128xbf16>
    %dot_general3A_21 = arith.constant dense<0.000000e+00> : vector<1x128xf32>
    %dot_general3A_22 = tpu.matmul %convert_element_type3A_19, %convert_element_type3A_20, %dot_general3A_21 {dimension_numbers = #tpu.dot_dimension_numbers<[1], [0], [0], [1], [0, 0, 1, 1], [], []>, transpose_lhs_hint = false} : vector<1x128xbf16>, vector<128x128xbf16>, vector<1x128xf32> -> vector<1x128xf32>
    %slice3A_23 = vector.extract_strided_slice %get3A_7 {offsets = [2, 0], sizes = [1, 128], strides = [1, 1]} : vector<3x128xf32> to vector<1x128xf32>
    %slice3A_24 = vector.extract_strided_slice %get3A_11 {offsets = [2, 0, 0], sizes = [1, 128, 128], strides = [1, 1, 1]} : vector<3x128x128xf32> to vector<1x128x128xf32>
    %squeeze3A_25 = vector.shape_cast %slice3A_24 : vector<1x128x128xf32> to vector<128x128xf32>
    %convert_element_type3A_26 = arith.truncf %slice3A_23 : vector<1x128xf32> to vector<1x128xbf16>
    %convert_element_type3A_27 = arith.truncf %squeeze3A_25 : vector<128x128xf32> to vector<128x128xbf16>
    %dot_general3A_28 = arith.constant dense<0.000000e+00> : vector<1x128xf32>
    %dot_general3A_29 = tpu.matmul %convert_element_type3A_26, %convert_element_type3A_27, %dot_general3A_28 {dimension_numbers = #tpu.dot_dimension_numbers<[1], [0], [0], [1], [0, 0, 1, 1], [], []>, transpose_lhs_hint = false} : vector<1x128xbf16>, vector<128x128xbf16>, vector<1x128xf32> -> vector<1x128xf32>
    %concatenate3A = tpu.concatenate %dot_general3A_15, %dot_general3A_22, %dot_general3A_29 in 0 : vector<1x128xf32>, vector<1x128xf32>, vector<1x128xf32> -> vector<3x128xf32>
    %get3A_30 = arith.constant 0 : index
    %get3A_31 = arith.constant 0 : index
    %get3A_32 = vector.load %arg3[%get3A_30, %get3A_31] : memref<3x128xf32, #tpu.memory_space<vmem>>, vector<3x128xf32>
    %add3A = arith.addf %concatenate3A, %get3A_32 : vector<3x128xf32>
    %get3A_33 = arith.constant 0 : index
    %get3A_34 = arith.constant 0 : index
    %get3A_35 = vector.load %arg4[%get3A_33, %get3A_34] : memref<128x128xf32, #tpu.memory_space<vmem>>, vector<128x128xf32>
    %convert_element_type3A_36 = arith.truncf %add3A : vector<3x128xf32> to vector<3x128xbf16>
    %convert_element_type3A_37 = arith.truncf %get3A_35 : vector<128x128xf32> to vector<128x128xbf16>
    %dot_general3A_38 = arith.constant dense<0.000000e+00> : vector<3x128xf32>
    %dot_general3A_39 = tpu.matmul %convert_element_type3A_36, %convert_element_type3A_37, %dot_general3A_38 {dimension_numbers = #tpu.dot_dimension_numbers<[1], [0], [0], [1], [0, 0, 1, 1], [], []>, transpose_lhs_hint = false} : vector<3x128xbf16>, vector<128x128xbf16>, vector<3x128xf32> -> vector<3x128xf32>
    %get3A_40 = arith.constant 0 : index
    %get3A_41 = arith.constant 0 : index
    %get3A_42 = vector.load %arg5[%get3A_40, %get3A_41] : memref<128x128xf32, #tpu.memory_space<vmem>>, vector<128x128xf32>
    %convert_element_type3A_43 = arith.truncf %add3A : vector<3x128xf32> to vector<3x128xbf16>
    %convert_element_type3A_44 = arith.truncf %get3A_42 : vector<128x128xf32> to vector<128x128xbf16>
    %dot_general3A_45 = arith.constant dense<0.000000e+00> : vector<3x128xf32>
    %dot_general3A_46 = tpu.matmul %convert_element_type3A_43, %convert_element_type3A_44, %dot_general3A_45 {dimension_numbers = #tpu.dot_dimension_numbers<[1], [0], [0], [1], [0, 0, 1, 1], [], []>, transpose_lhs_hint = false} : vector<3x128xbf16>, vector<128x128xbf16>, vector<3x128xf32> -> vector<3x128xf32>
    %dot_general3A_47 = arith.constant dense<0.000000e+00> : vector<128x2048xf32>
    %dot_general3A_48 = tpu.matmul %dot_general3A_39, %slice3A, %dot_general3A_47 {dimension_numbers = #tpu.dot_dimension_numbers<[0], [0], [1], [1], [0, 1, 1, 1], [], []>, precision = #tpu.contract_precision<fp32>, transpose_lhs_hint = false} : vector<3x128xf32>, vector<3x2048xf32>, vector<128x2048xf32> -> vector<128x2048xf32>
    %eq3A = arith.constant 0.000000e+00 : f32
    %eq3A_49 = vector.broadcast %eq3A : f32 to vector<1x2048xf32>
    %eq3A_50 = arith.cmpf oeq, %slice3A_4, %eq3A_49 : vector<1x2048xf32>
    %convert_element_type3A_51 = arith.extui %eq3A_50 : vector<1x2048xi1> to vector<1x2048xi32>
    %convert_element_type3A_52 = arith.sitofp %convert_element_type3A_51 : vector<1x2048xi32> to vector<1x2048xf32>
    %eq3A_53 = arith.constant 1.000000e+00 : f32
    %eq3A_54 = vector.broadcast %eq3A_53 : f32 to vector<1x2048xf32>
    %eq3A_55 = arith.cmpf oeq, %slice3A_4, %eq3A_54 : vector<1x2048xf32>
    %convert_element_type3A_56 = arith.extui %eq3A_55 : vector<1x2048xi1> to vector<1x2048xi32>
    %convert_element_type3A_57 = arith.sitofp %convert_element_type3A_56 : vector<1x2048xi32> to vector<1x2048xf32>
    %eq3A_58 = arith.constant 2.000000e+00 : f32
    %eq3A_59 = vector.broadcast %eq3A_58 : f32 to vector<1x2048xf32>
    %eq3A_60 = arith.cmpf oeq, %slice3A_4, %eq3A_59 : vector<1x2048xf32>
    %convert_element_type3A_61 = arith.extui %eq3A_60 : vector<1x2048xi1> to vector<1x2048xi32>
    %convert_element_type3A_62 = arith.sitofp %convert_element_type3A_61 : vector<1x2048xi32> to vector<1x2048xf32>
    %concatenate3A_63 = tpu.concatenate %convert_element_type3A_52, %convert_element_type3A_57, %convert_element_type3A_62 in 0 : vector<1x2048xf32>, vector<1x2048xf32>, vector<1x2048xf32> -> vector<3x2048xf32>
    %dot_general3A_64 = arith.constant dense<0.000000e+00> : vector<128x2048xf32>
    %dot_general3A_65 = tpu.matmul %dot_general3A_46, %concatenate3A_63, %dot_general3A_64 {dimension_numbers = #tpu.dot_dimension_numbers<[0], [0], [1], [1], [0, 1, 1, 1], [], []>, precision = #tpu.contract_precision<fp32>, transpose_lhs_hint = false} : vector<3x128xf32>, vector<3x2048xf32>, vector<128x2048xf32> -> vector<128x2048xf32>
    %add3A_66 = arith.addf %dot_general3A_48, %dot_general3A_65 : vector<128x2048xf32>
    %get3A_67 = arith.constant 0 : index
    %get3A_68 = arith.constant 0 : index
    %get3A_69 = vector.load %arg6[%get3A_67, %get3A_68] : memref<128x1xf32, #tpu.memory_space<vmem>>, vector<128x1xf32>
    %add3A_70 = vector.broadcast %get3A_69 : vector<128x1xf32> to vector<128x2048xf32>
    %add3A_71 = arith.addf %add3A_66, %add3A_70 : vector<128x2048xf32>
    %max3A = arith.constant 0.000000e+00 : f32
    %max3A_72 = vector.broadcast %max3A : f32 to vector<128x2048xf32>
    %max3A_73 = arith.maximumf %add3A_71, %max3A_72 : vector<128x2048xf32>
    %get3A_74 = arith.constant 0 : index
    %get3A_75 = arith.constant 0 : index
    %get3A_76 = vector.load %arg7[%get3A_74, %get3A_75] : memref<128x128xf32, #tpu.memory_space<vmem>>, vector<128x128xf32>
    %convert_element_type3A_77 = arith.truncf %get3A_76 : vector<128x128xf32> to vector<128x128xbf16>
    %convert_element_type3A_78 = arith.truncf %max3A_73 : vector<128x2048xf32> to vector<128x2048xbf16>
    %dot_general3A_79 = arith.constant dense<0.000000e+00> : vector<128x2048xf32>
    %dot_general3A_80 = tpu.matmul %convert_element_type3A_77, %convert_element_type3A_78, %dot_general3A_79 {dimension_numbers = #tpu.dot_dimension_numbers<[0], [0], [1], [1], [0, 1, 1, 1], [], []>, transpose_lhs_hint = false} : vector<128x128xbf16>, vector<128x2048xbf16>, vector<128x2048xf32> -> vector<128x2048xf32>
    %get3A_81 = arith.constant 0 : index
    %get3A_82 = arith.constant 0 : index
    %get3A_83 = vector.load %arg8[%get3A_81, %get3A_82] : memref<128x1xf32, #tpu.memory_space<vmem>>, vector<128x1xf32>
    %add3A_84 = vector.broadcast %get3A_83 : vector<128x1xf32> to vector<128x2048xf32>
    %add3A_85 = arith.addf %dot_general3A_80, %add3A_84 : vector<128x2048xf32>
    %max3A_86 = arith.constant 0.000000e+00 : f32
    %max3A_87 = vector.broadcast %max3A_86 : f32 to vector<128x2048xf32>
    %max3A_88 = arith.maximumf %add3A_85, %max3A_87 : vector<128x2048xf32>
    %get3A_89 = arith.constant 0 : index
    %get3A_90 = arith.constant 0 : index
    %get3A_91 = vector.load %arg9[%get3A_89, %get3A_90] : memref<128x128xf32, #tpu.memory_space<vmem>>, vector<128x128xf32>
    %convert_element_type3A_92 = arith.truncf %get3A_91 : vector<128x128xf32> to vector<128x128xbf16>
    %convert_element_type3A_93 = arith.truncf %max3A_88 : vector<128x2048xf32> to vector<128x2048xbf16>
    %dot_general3A_94 = arith.constant dense<0.000000e+00> : vector<128x2048xf32>
    %dot_general3A_95 = tpu.matmul %convert_element_type3A_92, %convert_element_type3A_93, %dot_general3A_94 {dimension_numbers = #tpu.dot_dimension_numbers<[0], [0], [1], [1], [0, 1, 1, 1], [], []>, transpose_lhs_hint = false} : vector<128x128xbf16>, vector<128x2048xbf16>, vector<128x2048xf32> -> vector<128x2048xf32>
    %get3A_96 = arith.constant 0 : index
    %get3A_97 = arith.constant 0 : index
    %get3A_98 = vector.load %arg10[%get3A_96, %get3A_97] : memref<128x1xf32, #tpu.memory_space<vmem>>, vector<128x1xf32>
    %add3A_99 = vector.broadcast %get3A_98 : vector<128x1xf32> to vector<128x2048xf32>
    %add3A_100 = arith.addf %dot_general3A_95, %add3A_99 : vector<128x2048xf32>
    %max3A_101 = arith.constant 0.000000e+00 : f32
    %max3A_102 = vector.broadcast %max3A_101 : f32 to vector<128x2048xf32>
    %max3A_103 = arith.maximumf %add3A_100, %max3A_102 : vector<128x2048xf32>
    %get3A_104 = arith.constant 0 : index
    %get3A_105 = arith.constant 0 : index
    %get3A_106 = vector.load %arg11[%get3A_104, %get3A_105] : memref<128x1xf32, #tpu.memory_space<vmem>>, vector<128x1xf32>
    %convert_element_type3A_107 = arith.truncf %get3A_106 : vector<128x1xf32> to vector<128x1xbf16>
    %convert_element_type3A_108 = arith.truncf %max3A_103 : vector<128x2048xf32> to vector<128x2048xbf16>
    %dot_general3A_109 = arith.constant dense<0.000000e+00> : vector<1x2048xf32>
    %dot_general3A_110 = tpu.matmul %convert_element_type3A_107, %convert_element_type3A_108, %dot_general3A_109 {dimension_numbers = #tpu.dot_dimension_numbers<[0], [0], [1], [1], [0, 1, 1, 1], [], []>, transpose_lhs_hint = false} : vector<128x1xbf16>, vector<128x2048xbf16>, vector<1x2048xf32> -> vector<1x2048xf32>
    %get3A_111 = arith.constant 0 : index
    %get3A_112 = arith.constant 0 : index
    %get3A_113 = vector.load %arg12[%get3A_111, %get3A_112] : memref<1x1xf32, #tpu.memory_space<vmem>>, vector<1x1xf32>
    %add3A_114 = vector.broadcast %get3A_113 : vector<1x1xf32> to vector<1x2048xf32>
    %add3A_115 = arith.addf %dot_general3A_110, %add3A_114 : vector<1x2048xf32>
    %neg3A = arith.constant 0.000000e+00 : f32
    %neg3A_116 = vector.broadcast %neg3A : f32 to vector<1x2048xf32>
    %neg3A_117 = arith.subf %neg3A_116, %add3A_115 : vector<1x2048xf32>
    %exp3A = math.exp %neg3A_117 : vector<1x2048xf32>
    %add3A_118 = arith.constant 1.000000e+00 : f32
    %add3A_119 = vector.broadcast %add3A_118 : f32 to vector<1x2048xf32>
    %add3A_120 = arith.addf %add3A_119, %exp3A : vector<1x2048xf32>
    %div3A = arith.constant 1.000000e+00 : f32
    %div3A_121 = vector.broadcast %div3A : f32 to vector<1x2048xf32>
    %div3A_122 = arith.divf %div3A_121, %add3A_120 : vector<1x2048xf32>
    %swap3A = arith.constant 0 : index
    %swap3A_123 = arith.constant 0 : index
    %swap3A_124 = vector.load %arg13[%swap3A, %swap3A_123] : memref<1x2048xf32, #tpu.memory_space<vmem>>, vector<1x2048xf32>
    tpu.vector_store %arg13[%swap3A, %swap3A_123], %div3A_122 {strides = array<i32>} : memref<1x2048xf32, #tpu.memory_space<vmem>>, vector<1x2048xf32>,
    return
  }
}

</mosaic_0001>

<sc_bundles>
// kernel: kernel.4.cloned.1.call-start
scs
__scs_entry_jumppad:
0x0: {  	(pc) =	sbr.rel $0x88, $3  }
0x1: {  	(tag) =	ssettag $0x0;
	lr =	simm.s32 $0x1  }
0x2: {  	[smem:$0x3F92] =	sst lr;
	_ =	strace $0xD0000000  }
0x3: {  	_ = 	snop  }
0x4: {  	_ = 	snop  }
0x5: {  	_ = 	snop  }
0x6: {  	_ = 	snop  }
0x7: {  	_ = 	snop  }
__scs_overlays_trampoline_lowered:
0x8: {  	[smem:$0x3FA1] =	sst s0  }
0x9: {  	[smem:$0x3FA2] =	sst s1  }
0xa: {  	[smem:$0x3FA3] =	sst s2  }
0xb: {  	[smem:$0x3FA4] =	sst s3  }
0xc: {  	[smem:$0x3FA5] =	sst s4  }
0xd: {  	[smem:$0x3FA6] =	sst s5  }
0xe: {  	[smem:$0x3FA7] =	sst s6  }
0xf: {  	[smem:$0x3FA8] =	sst s7  }
0x10: {  	[smem:$0x3FA9] =	sst s8  }
0x11: {  	[smem:$0x3FAA] =	sst s9;
	s0 =	simm.s32 @!p0 $0x0  }
0x12: {  	s1 =	sld [smem:$0x3F90];
	s0 =	simm.s32 @p0 $0x1  }
0x13: {  	[smem:$0x3FAB] =	sst s0;
	s0 =	simm.s32 @!p1 $0x0  }
0x14: {  	s2 =	sld [smem:$0x3F8F];
	s0 =	simm.s32 @p1 $0x1  }
0x15: {  	[smem:$0x3FAC] =	sst s0;
	s0 =	simm.s32 @!p2 $0x0  }
0x16: {  	s3 =	sld [smem:$0x3FDB];
	s0 =	simm.s32 @p2 $0x1  }
0x17: {  	s4 =	simm.s32 $0x1BF5;
	[smem:$0x3FAE] =	sst s0  }
0x18: {  	s0 =	sld [smem:$0x3F91];
	_ =	swait.ge [sflag:s4], $0x0  }
0x19: {  	s7 =	sld [smem:$0x3F92]  }
0x1a: {  	s8 =	sadd.s32 $0xFFFFE003, lr  }
0x1b: {  	s9 =	sadd.s32 $0xFFFFFEF7, lr;
	s5 =	simm.s32 $0xFFFFFFFF;
	p2 =	slt.u32 s8, $0xFFFFF086  }
0x1c: {  	p1 =	slt.u32 s9, $0xF7A;
	s5 =	simm.s32 @!p2 $0x0  }
0x1d: {  	s5 =	simm.s32 @p1 $0x1;
	p0 =	seq.s32 s7, s2  }
0x1e: {  	s7 =	smul.u32 @!p0 $0xF7A, s2;
	p2 =	seq.s32 @!p0 s5, $0x0  }
0x1f: {  	s9 =	smul.u32 $0xF7A, s1;
	s8 =	simm.s32 @!p0 $0x1BF5;
	p2 =	por !p2, p0  }
0x20: {  	[sflag:s8] =	ssyncset.s32 @!p0 $0xFFFFF086;
	s6 =	sadd.s32 @!p0 s3, s7;
	s7 =	simm.s32 @!p0 $0x108  }
0x21: {  	s3 =	sadd.s32 s3, s9;
	s6 =	sadd.s32 @!p0 $0x88, s6;
	s7 =	simm.s32 @p2 $0x1082  }
0x22: {  	[simem:s7], [sflag:s8] =	dma.local @!p0 [hbm:s6], $0xF7A  }
0x23: {  	s9 =	sor.u32 $0xD0000000, s2;
	s6 =	simm.s32 $0x108;
	_ =	swait.ge @!p0 [sflag:s8], $0x0  }
0x24: {  	s3 =	sadd.s32 $0x88, s3;
	s6 =	simm.s32 @!p1 $0x1082;
	[sflag:s4] =	ssyncset.s32 $0xFFFFF086  }
0x25: {  	[simem:s6], [sflag:s4] =	dma.local [hbm:s3], $0xF7A  }
0x26: {  	[smem:$0x3F92] =	sst s1;
	(tag) =	ssettag s2;
	_ =	strace s9  }
0x27: {  	s1 =	sld [smem:$0x3FA2]  }
0x28: {  	s2 =	sld [smem:$0x3FA3]  }
0x29: {  	s4 =	sld [smem:$0x3FA5]  }
0x2a: {  	p0 =	seq.s32 s5, $0x0;
	s5 =	sld [smem:$0x3FA6]  }
0x2b: {  	s6 =	sld [smem:$0x3FA7]  }
0x2c: {  	s7 =	sld [smem:$0x3FA8]  }
0x2d: {  	s3 =	simm.s32 $0x108;
	s8 =	sld [smem:$0x3FA9]  }
0x2e: {  	s3 =	simm.s32 @!p0 $0x1082;
	s9 =	sld [smem:$0x3FAA]  }
0x2f: {  	lr =	sadd.s32 s0, s3;
	s0 =	sld [smem:$0x3FA1]  }
0x30: {  	s3 =	sld [smem:$0x3FA4]  }
0x31: {  	[smem:$0x3FAD] =	sst s10  }
0x32: {  	s10 =	sld [smem:$0x3FAB];
	_ =	sdelay $0x3  }
0x33: {  	p0 =	seq.s32 s10, $0x1;
	s10 =	sld [smem:$0x3FAD];
	_ =	sdelay $0x3  }
0x34: {  	[smem:$0x3FAD] =	sst s10  }
0x35: {  	s10 =	sld [smem:$0x3FAC];
	_ =	sdelay $0x3  }
0x36: {  	p1 =	seq.s32 s10, $0x1;
	s10 =	sld [smem:$0x3FAD];
	_ =	sdelay $0x3  }
0x37: {  	[smem:$0x3FAD] =	sst s10  }
0x38: {  	s10 =	sld [smem:$0x3FAE]  }
0x39: {  	_ = 	snop;
	(pc) =	sbr.ind lr, $3  }
0x3a: {  	_ = 	snop  }
0x3b: {  	_ = 	snop  }
0x3c: {  	p2 =	seq.s32 s10, $0x1;
	s10 =	sld [smem:$0x3FAD]  }
0x3d: {  	_ =	shalt  }
0x3e: {  	_ =	shalt  }
0x3f: {  	_ =	shalt  }
0x40: {  	_ =	shalt  }
0x41: {  	_ =	shalt  }
0x42: {  	_ =	shalt  }
0x43: {  	_ =	shalt  }
0x44: {  	_ =	shalt  }
0x45: {  	_ =	shalt  }
0x46: {  	_ =	shalt  }
0x47: {  	_ =	shalt  }
0x48: {  	_ =	shalt  }
0x49: {  	_ =	shalt  }
0x4a: {  	_ =	shalt  }
0x4b: {  	_ =	shalt  }
0x4c: {  	_ =	shalt  }
0x4d: {  	_ =	shalt  }
0x4e: {  	_ =	shalt  }
0x4f: {  	_ =	shalt  }
0x50: {  	_ =	shalt  }
0x51: {  	_ =	shalt  }
0x52: {  	_ =	shalt  }
0x53: {  	_ =	shalt  }
0x54: {  	_ =	shalt  }
0x55: {  	_ =	shalt  }
0x56: {  	_ =	shalt  }
0x57: {  	_ =	shalt  }
0x58: {  	_ =	shalt  }
0x59: {  	_ =	shalt  }
0x5a: {  	_ =	shalt  }
0x5b: {  	_ =	shalt  }
0x5c: {  	_ =	shalt  }
0x5d: {  	_ =	shalt  }
0x5e: {  	_ =	shalt  }
0x5f: {  	_ =	shalt  }
0x60: {  	_ =	shalt  }
0x61: {  	_ =	shalt  }
0x62: {  	_ =	shalt  }
0x63: {  	_ =	shalt  }
0x64: {  	_ =	shalt  }
0x65: {  	_ =	shalt  }
0x66: {  	_ =	shalt  }
0x67: {  	_ =	shalt  }
0x68: {  	_ =	shalt  }
0x69: {  	_ =	shalt  }
0x6a: {  	_ =	shalt  }
0x6b: {  	_ =	shalt  }
0x6c: {  	_ =	shalt  }
0x6d: {  	_ =	shalt  }
0x6e: {  	_ =	shalt  }
0x6f: {  	_ =	shalt  }
0x70: {  	_ =	shalt  }
0x71: {  	_ =	shalt  }
0x72: {  	_ =	shalt  }
0x73: {  	_ =	shalt  }
0x74: {  	_ =	shalt  }
0x75: {  	_ =	shalt  }
0x76: {  	_ =	shalt  }
0x77: {  	_ =	shalt  }
0x78: {  	_ =	shalt  }
0x79: {  	_ =	shalt  }
0x7a: {  	_ =	shalt  }
0x7b: {  	_ =	shalt  }
0x7c: {  	_ =	shalt  }
0x7d: {  	_ =	shalt  }
0x7e: {  	_ =	shalt  }
0x7f: {  	_ =	shalt  }
0x80: {  	_ =	shalt  }
0x81: {  	_ =	shalt  }
0x82: {  	_ =	shalt  }
0x83: {  	_ =	shalt  }
0x84: {  	_ =	shalt  }
0x85: {  	_ =	shalt  }
0x86: {  	_ =	shalt  }
0x87: {  	_ =	shalt  }
.Lfunc_end0:
.L_simem_size_0:
called_computation_lowered:
.L_overlay_start_0:
0x88: {  	s2 =	sld [smem:$0x3FD9]  }
0x89: {  	s3 =	sld [smem:$0x3FFE];
	_ =	sdelay $0x1  }
0x8a: {  	s1 =	srdreg.scid  }
0x8b: {  	s0 =	sand.u32 $0x1, s1  }
0x8c: {  	s17 =	sshll.u32 s0, $0xA;
	s2 =	sadd.s32 s3, s2  }
0x8d: {  	s2 =	sadd.s32 s2, s17  }
0x8e: {  	[smem:$0x3FB9] =	sst s2  }
0x8f: {  	_ = 	snop  }
0x90: {  	s2 =	sld [smem:$0x3FBD]  }
0x91: {  	s18 =	sld [smem:$0x3FBB];
	(tm) =	ssettm $0x1  }
0x92: {  	s4 =	sld [smem:$0x3FFB];
	_ =	sdelay $0x3  }
0x93: {  	_ =	strace s4  }
0x94: {  	s4 =	sld [smem:$0x3FFC];
	_ =	sdelay $0x3  }
0x95: {  	_ =	strace s4  }
0x96: {  	s4 =	sld [smem:$0x3FFD];
	_ =	sdelay $0x3  }
0x97: {  	_ =	strace s4  }
0x98: {  	_ =	strace $0x8FFFFFFF  }
0x99: {  	s19 =	sld [smem:$0x3FDB];
	_ =	sdelay $0x1  }
0x9a: {  	s5 =	simm.s32 $_scs_section_size  }
0x9b: {  	s6 =	simm.s32 $_size__tile_overlayer_lowered;
	s7 =	simm.s32 $_tile_overlayer_lowered  }
0x9c: {  	s22 =	simm.s32 $0x1BFF;
	s21 =	sshll.u32 s7, $0x1;
	s4 =	sadd.s32 s5, s19  }
0x9d: {  	s8 =	simm.s32 $0x0;
	s20 =	sshll.u32 s6, $0x1;
	s6 =	sadd.s32 s21, s4  }
0x9e: {  	[timem:s8], [sflag:s22] =	dma.local [hbm:s6], s20  }
0x9f: {  	_ =	swait.ge [sflag:s22], s20  }
0xa0: {  	s5 =	ssub.s32 $0x0, s20;
	[sflag:s22] =	ssyncset.done $0x0  }
0xa1: {  	[sflag:s22] =	ssyncadd.s32 s5;
	_ =	sdelay $0x1  }
0xa2: {  	s23 =	simm.s32 $0x1B8B  }
0xa3: {  	_ =	swait.ge [sflag:s23], $0x1  }
0xa4: {  	[sflag:s23] =	ssyncset.done $0x0  }
0xa5: {  	s25 =	simm.s32 $0x1B8E;
	s24 =	sld [smem:$0x3FFE];
	[sflag:s23] =	ssyncadd.s32 $0xFFFFFFFF  }
0xa6: {  	s26 =	simm.s32 $execute0_lowered;
	[smem:$0x3FD2] =	sst s25  }
0xa7: {  	s6 =	sshll.u32 s26, $0x1;
	_ =	strace $0x80000046;
	[dreg:$0x1] =	wrdreg $0xFFFFFFFF  }
0xa8: {  	s28 =	simm.s32 $_size_execute0_lowered;
	s4 =	sadd.s32 s4, s6;
	[dreg:$0x0] =	wrdreg $0x0  }
0xa9: {  	s6 =	sshll.u32 s28, $0x1;
	[dreg:$0x2] =	wrdreg s4  }
0xaa: {  	[dreg:$0x3] =	wrdreg s6  }
0xab: {  	[dreg:$0x4] =	wrdreg $0xC0  }
0xac: {  	_ =	task [dreg:s8], $0x5FFFF  }
0xad: {  	[dreg:$0x1] =	wrdreg $0xFFFFFFFF  }
0xae: {  	[dreg:$0x0] =	wrdreg $0x60  }
0xaf: {  	[dreg:$0x2] =	wrdreg s2  }
0xb0: {  	[dreg:$0x3] =	wrdreg s24  }
0xb1: {  	[dreg:$0x4] =	wrdreg s18  }
0xb2: {  	[dreg:$0x5] =	wrdreg $0x9  }
0xb3: {  	_ =	task.clear_ibuf [dreg:s8], $0x6FFFF;
	_ =	strace $0x90000046  }
0xb4: {  	s29 =	simm.s32 $0x9;
	_ =	strace $0x80000048  }
0xb5: {  	_ =	swait.ge [sflag:s29], $0x1  }
0xb6: {  	[sflag:s29] =	ssyncadd.s32 $0xFFFFFFFF  }
0xb7: {  	_ =	strace $0x90000048  }
0xb8: {  	_ =	sfence  }
0xb9: {  	s30 =	sld [smem:$0x0];
	_ =	sdelay $0x2  }
0xba: {  	s31 =	sshll.u32 s1, $0xD;
	s1 =	sshrl.u32 s1, $0x2  }
0xbb: {  	s3 =	sand.u32 $0x4000, s31;
	s1 =	sadd.s32 s1, s30  }
0xbc: {  	s0 =	sor.u32 s3, s0;
	s1 =	sshll.u32 s1, $0x11  }
0xbd: {  	s0 =	sor.u32 s1, s0  }
0xbe: {  	s0 =	sadd.s32 $0x8F2B, s0  }
0xbf: {  	[sflag:s0] =	ssyncadd.remote.s32 $0x1  }
0xc0: {  	_ =	sfence.sel $0xFFFF  }
0xc1: {  	[dreg:$0x0] =	wrdreg $0xFFFFFFFF;
	(pc) =	sbr.abs _section_cstart, $3  }
0xc2: {  	[dreg:$0x1] =	wrdreg $0xFFFFFFFF  }
0xc3: {  	_ =	task.clear_ibuf [dreg:s8], $0x2FFFF;
	_ =	strace $0x9FFFFFFF  }
0xc4: {  	(tm) =	ssettm $0x7FFFFFFF  }
0xc5: {  	_ =	shalt  }
tec
execute0_lowered:
.L_overlay_start_1:
0x0: {  	(tag) =	ssettag $0x1  }
0x1: {  	s1 =	rddreg [dreg:$0x0]  }
0x2: {  	s5 =	rddreg [dreg:$0x1];
	s2 =	srdreg.scid  }
0x3: {  	s0 =	stileid.u32;
	s3 =	rddreg [dreg:$0x2]  }
0x4: {  	s4 =	simm.s32 $0x0;
	s17 =	simm.f32 $1.000000000e+00;
	s11 =	simm.s32 $0xEC00  }
0x5: {  	s12 =	simm.s32 $0x1;
	s13 =	simm.s32 $0x2;
	s14 =	simm.s32 $0x3  }
0x6: {  	s15 =	simm.s32 $0x4;
	s16 =	simm.s32 $0x7680;
	s18 =	simm.s32 $0x5  }
0x7: {  	s6 =	sand.u32 $0x1, s2;
	s7 =	sshll.u32 s0, $0x1;
	s2 =	rddreg [dreg:$0x3]  }
0x8: {  	s19 =	simm.s32 $0x0;
	[smem:$0x7FF] =	sst s4;
	s7 =	sor.u32 s6, s7  }
0x9: {  	_ =	strace $0x80000047;
	s6 =	ssub.s32 $0x2, s6;
	s8 =	smul.u32 $0x2710, s7  }
0xa: {  	s9 =	sshll.u32 s7, $0xA;
	s10 =	sshrl.u32 s6, $0x1;
	p0 =	seq.s32 s7, $0x0  }
0xb: {  	s9 =	sadd.s32 s9, s5;
	s10 =	ssub.s32 s6, s10;
	s8 =	sshrl.u32 s8, $0x3  }
0xc: {  	s17 =	simm.s32 @!p0 $0x0;
	s7 =	sadd.s32 $0x15600, s9;
	s8 =	sadd.s32 s8, s5  }
0xd: {  	s9 =	simm.s32 $0x2780;
	v0 =	vmov s17;
	s17 =	simm.s32 $0xF400;
	s5 =	sadd.s32 $0x1C00, s8  }
0xe: {  	v1 =	vimm.f32 $0.0e+00;
	v2 =	vimm.f32 $1.000000000e+00;
	s6 =	sadd.s32 $0xB840, s8;
	s8 =	smax.u32 s10, $0x1;
	s10 =	simm.s32 $0x4F00  }
.LBB2_1:
0xf: {  	[tilespmem:s4], [sflag:$0x1] =	stream.linear.gather [hbm4b:s1+s4], $0x2780, $0x38;
	[tilespmem:$0x11400] =	vst v63  }
0x10: {  	_ = 	snop  }
0x11: {  	[tilespmem:s9], [sflag:$0x2] =	stream.linear.gather [hbm4b:s5+s4], $0x2710, $0x38;
	[tilespmem:$0x11400] =	vst v63  }
0x12: {  	_ = 	snop  }
0x13: {  	[tilespmem:s10], [sflag:$0x3] =	stream.linear.gather [hbm4b:s6+s4], $0x2710, $0x38;
	[tilespmem:$0x11400] =	vst v63  }
0x14: {  	s20 =	simm.s32 $0x0;
	s21 =	simm.s32 $0x200  }
0x15: {  	[tilespmem:s11], [sflag:$0x4] =	stream.linear.gather [hbm4b:s3+s4], $0x800, $0x38;
	[tilespmem:$0x11400] =	vst v63  }
.LBB2_2:
0x16: {  	p0 =	sne.s32 s21, $0x1D200;
	[tilespmem:s20+$0x76F0] =	vst v1  }
0x17: {  	[tilespmem:s20+$0x7680] =	vst v1  }
0x18: {  	[tilespmem:s20+$0x7690] =	vst v1  }
.Ltmp0:
0x19: {  	[tilespmem:s20+$0x76A0] =	vst v1;
	(pc) =	sbr.rel @p0 .LBB2_2-.Ltmp0, $4  }
0x1a: {  	[tilespmem:s20+$0x76B0] =	vst v1  }
0x1b: {  	[tilespmem:s20+$0x76C0] =	vst v1  }
0x1c: {  	[tilespmem:s20+$0x76D0] =	vst v1  }
0x1d: {  	[tilespmem:s20+$0x76E0] =	vst v1;
	s20 =	sshra.s32 s21, $0x2;
	s21 =	sadd.s32 $0x200, s21  }
0x1e: {  	[tilespmem:s20+$0x76F0] =	vst v1  }
0x1f: {  	[tilespmem:s20+$0x7680] =	vst v1  }
0x20: {  	[tilespmem:s20+$0x7690] =	vst v1  }
0x21: {  	[tilespmem:s20+$0x76A0] =	vst v1  }
0x22: {  	[tilespmem:s20+$0x76B0] =	vst v1  }
0x23: {  	[tilespmem:s20+$0x76C0] =	vst v1  }
0x24: {  	[tilespmem:s20+$0x76D0] =	vst v1  }
0x25: {  	[tilespmem:s20+$0x76E0] =	vst v1  }
0x26: {  	[tilespmem:$0xEB80] =	vst v1  }
0x27: {  	[tilespmem:$0xEB90] =	vst v1  }
0x28: {  	[tilespmem:$0xEBA0] =	vst v1  }
0x29: {  	_ =	swait.ge [sflag:s12], $0x2780  }
0x2a: {  	[sflag:s12] =	ssyncset.done $0x0  }
0x2b: {  	[sflag:s12] =	ssyncadd.s32 $0xFFFFD880  }
0x2c: {  	_ =	swait.ge [sflag:s13], $0x2710  }
0x2d: {  	[sflag:s13] =	ssyncset.done $0x0  }
0x2e: {  	[sflag:s13] =	ssyncadd.s32 $0xFFFFD8F0  }
0x2f: {  	_ =	swait.ge [sflag:s14], $0x2710  }
0x30: {  	[sflag:s14] =	ssyncset.done $0x0  }
0x31: {  	[sflag:s14] =	ssyncadd.s32 $0xFFFFD8F0  }
0x32: {  	_ =	swait.ge [sflag:s15], $0x800  }
0x33: {  	[sflag:s15] =	ssyncset.done $0x0  }
0x34: {  	s20 =	simm.s32 $0x0;
	[sflag:s15] =	ssyncadd.s32 $0xFFFFF800  }
.LBB2_4:
0x35: {  	s21 =	sshra.s32 s20, $0x2  }
0x36: {  	v3 =	vld [tilespmem:s21+$0x2780];
	_ =	sdelay $0x5  }
0x37: {  	v4 =	vld [tilespmem:s21+$0x4F00];
	_ =	sdelay $0x1  }
0x38: {  	v3 =	vld.idx.msk [tilespmem:v3+s4+$0x0], $0xffff;
	_ =	sdelay $0x2  }
0x39: {  	v4 =	vmul.u32 $0x3, v4;
	_ =	sdelay $0x1  }
0x3a: {  	v3 =	vadd.s32 v3, v4;
	_ =	sdelay $0x4  }
0x3b: {  	[tilespmem:v3+s16+$0x0] =	vst.idx.add.f32.msk $0xffff, v2  }
0x3c: {  	v3 =	vld [tilespmem:s21+$0x2790];
	_ =	sdelay $0x5  }
0x3d: {  	v57 =	vld [tilespmem:s21+$0x4F10];
	_ =	sdelay $0x1  }
0x3e: {  	v3 =	vld.idx.msk [tilespmem:v3+s4+$0x0], $0xffff;
	_ =	sdelay $0x2  }
0x3f: {  	v4 =	vmul.u32 $0x3, v57;
	_ =	sdelay $0x1  }
0x40: {  	v3 =	vadd.s32 v3, v4;
	_ =	sdelay $0x4  }
0x41: {  	[tilespmem:v3+s16+$0x0] =	vst.idx.add.f32.msk $0xffff, v2  }
0x42: {  	v3 =	vld [tilespmem:s21+$0x27A0];
	_ =	sdelay $0x5  }
0x43: {  	v58 =	vld [tilespmem:s21+$0x4F20];
	_ =	sdelay $0x1  }
0x44: {  	v3 =	vld.idx.msk [tilespmem:v3+s4+$0x0], $0xffff;
	_ =	sdelay $0x2  }
0x45: {  	v4 =	vmul.u32 $0x3, v58;
	_ =	sdelay $0x1  }
0x46: {  	v3 =	vadd.s32 v3, v4;
	_ =	sdelay $0x4  }
0x47: {  	[tilespmem:v3+s16+$0x0] =	vst.idx.add.f32.msk $0xffff, v2  }
0x48: {  	v3 =	vld [tilespmem:s21+$0x27B0];
	_ =	sdelay $0x5  }
0x49: {  	v59 =	vld [tilespmem:s21+$0x4F30];
	_ =	sdelay $0x1  }
0x4a: {  	v3 =	vld.idx.msk [tilespmem:v3+s4+$0x0], $0xffff;
	_ =	sdelay $0x2  }
0x4b: {  	v4 =	vmul.u32 $0x3, v59;
	_ =	sdelay $0x1  }
0x4c: {  	v3 =	vadd.s32 v3, v4;
	_ =	sdelay $0x4  }
0x4d: {  	[tilespmem:v3+s16+$0x0] =	vst.idx.add.f32.msk $0xffff, v2  }
0x4e: {  	v3 =	vld [tilespmem:s21+$0x27C0];
	_ =	sdelay $0x5  }
0x4f: {  	v60 =	vld [tilespmem:s21+$0x4F40];
	_ =	sdelay $0x1  }
0x50: {  	v3 =	vld.idx.msk [tilespmem:v3+s4+$0x0], $0xffff;
	_ =	sdelay $0x2  }
0x51: {  	v4 =	vmul.u32 $0x3, v60;
	_ =	sdelay $0x1  }
0x52: {  	v3 =	vadd.s32 v3, v4;
	_ =	sdelay $0x4  }
0x53: {  	[tilespmem:v3+s16+$0x0] =	vst.idx.add.f32.msk $0xffff, v2  }
0x54: {  	v3 =	vld [tilespmem:s21+$0x27D0];
	_ =	sdelay $0x5  }
0x55: {  	v61 =	vld [tilespmem:s21+$0x4F50];
	_ =	sdelay $0x1  }
0x56: {  	v3 =	vld.idx.msk [tilespmem:v3+s4+$0x0], $0xffff;
	_ =	sdelay $0x2  }
0x57: {  	v4 =	vmul.u32 $0x3, v61;
	_ =	sdelay $0x1  }
0x58: {  	v3 =	vadd.s32 v3, v4;
	_ =	sdelay $0x4  }
0x59: {  	[tilespmem:v3+s16+$0x0] =	vst.idx.add.f32.msk $0xffff, v2  }
0x5a: {  	v3 =	vld [tilespmem:s21+$0x27E0];
	_ =	sdelay $0x5  }
0x5b: {  	v62 =	vld [tilespmem:s21+$0x4F60];
	_ =	sdelay $0x1  }
0x5c: {  	v3 =	vld.idx.msk [tilespmem:v3+s4+$0x0], $0xffff;
	_ =	sdelay $0x2  }
0x5d: {  	v4 =	vmul.u32 $0x3, v62;
	_ =	sdelay $0x1  }
0x5e: {  	v3 =	vadd.s32 v3, v4;
	_ =	sdelay $0x4  }
0x5f: {  	[tilespmem:v3+s16+$0x0] =	vst.idx.add.f32.msk $0xffff, v2  }
0x60: {  	v3 =	vld [tilespmem:s21+$0x27F0];
	_ =	sdelay $0x5  }
0x61: {  	v63 =	vld [tilespmem:s21+$0x4F70];
	_ =	sdelay $0x1  }
0x62: {  	v3 =	vld.idx.msk [tilespmem:v3+s4+$0x0], $0xffff;
	_ =	sdelay $0x2  }
0x63: {  	v4 =	vmul.u32 $0x3, v63;
	_ =	sdelay $0x1  }
0x64: {  	p0 =	sne.s32 s20, $0x9A00;
	v3 =	vadd.s32 v3, v4  }
.Ltmp1:
0x65: {  	_ = 	snop;
	(pc) =	sbr.rel @p0 .LBB2_4-.Ltmp1, $2  }
0x66: {  	_ =	sdelay $0x2  }
0x67: {  	s20 =	sadd.s32 $0x200, s20;
	[tilespmem:v3+s16+$0x0] =	vst.idx.add.f32.msk $0xffff, v2  }
0x68: {  	v3 =	vld [tilespmem:$0x4E80];
	_ =	sdelay $0x5  }
0x69: {  	v4 =	vld [tilespmem:$0x7600]  }
0x6a: {  	s20 =	simm.s32 $0x0  }
0x6b: {  	v3 =	vld.idx.msk [tilespmem:v3+s20+$0x0], $0xffff;
	_ =	sdelay $0x2  }
0x6c: {  	v4 =	vmul.u32 $0x3, v4;
	_ =	sdelay $0x1  }
0x6d: {  	v3 =	vadd.s32 v3, v4;
	_ =	sdelay $0x4  }
0x6e: {  	s21 =	simm.s32 $0x0;
	[tilespmem:v3+s16+$0x0] =	vst.idx.add.f32.msk $0xffff, v2  }
0x6f: {  	v3 =	vld [tilespmem:s21+$0xEC00];
	_ =	sdelay $0x4  }
0x70: {  	v4 =	vmul.u32 $0x3, v3;
	_ =	sdelay $0x2  }
0x71: {  	v5 =	vadd.s32 $0x1, v4  }
0x72: {  	v7 =	vadd.s32 $0x2, v4;
	v6 =	vld.idx.msk [tilespmem:v3+s4+$0x0], $0xffff;
	_ =	sdelay $0x1  }
0x73: {  	v8 =	vld.idx.msk [tilespmem:v4+s16+$0x0], $0xffff;
	_ =	sdelay $0x1  }
0x74: {  	v3 =	vld.idx.msk [tilespmem:v5+s16+$0x0], $0xffff  }
0x75: {  	s31 =	sand.u32 $0x70, s20;
	s22 =	sand.u32 $0x1E00, s20;
	v4 =	vld.idx.msk [tilespmem:v7+s16+$0x0], $0xffff;
	v5 =	vcvt.s32.f32 v6  }
0x76: {  	s22 =	sor.u32 s31, s22  }
0x77: {  	s21 =	simm.s32 $0x10;
	v5 =	vmul.f32 v5, v0;
	[tilespmem:s22+$0xF400] =	vst v8  }
.LBB2_6:
0x78: {  	p0 =	sne.s32 s21, $0x7F0  }
0x79: {  	[tilespmem:s22+$0xF480] =	vst v3;
	s20 =	sadd.s32 $0x40, s20;
	s23 =	smov.u32 s21;
	s21 =	sadd.s32 $0x10, s21  }
0x7a: {  	[tilespmem:s22+$0xF500] =	vst v4  }
0x7b: {  	s24 =	sshra.s32 s20, $0x2;
	[tilespmem:s22+$0xF580] =	vst v5  }
0x7c: {  	v3 =	vld [tilespmem:s24+$0xEC00];
	_ =	sdelay $0x4  }
0x7d: {  	v4 =	vmul.u32 $0x3, v3;
	_ =	sdelay $0x1  }
0x7e: {  	v5 =	vadd.s32 $0x1, v4;
	v6 =	vadd.s32 $0x2, v4  }
0x7f: {  	v7 =	vld.idx.msk [tilespmem:v3+s4+$0x0], $0xffff;
	_ =	sdelay $0x2  }
0x80: {  	v8 =	vld.idx.msk [tilespmem:v4+s16+$0x0], $0xffff  }
0x81: {  	v3 =	vld.idx.msk [tilespmem:v5+s16+$0x0], $0xffff  }
.Ltmp2:
0x82: {  	v4 =	vld.idx.msk [tilespmem:v6+s16+$0x0], $0xffff;
	(pc) =	sbr.rel @p0 .LBB2_6-.Ltmp2, $4  }
0x83: {  	v5 =	vcvt.s32.f32 v7  }
0x84: {  	s22 =	sand.u32 $0x70, s23;
	s23 =	sand.u32 $0x1E00, s20  }
0x85: {  	s22 =	sor.u32 s22, s23;
	v5 =	vmul.f32 v5, v0  }
0x86: {  	[tilespmem:s22+$0xF400] =	vst v8  }
0x87: {  	[tilespmem:s22+$0xF480] =	vst v3;
	s19 =	sadd.s32 $0x1, s19  }
0x88: {  	[tilespmem:s22+$0xF500] =	vst v4;
	p0 =	sne.s32 s19, s8  }
.Ltmp3:
0x89: {  	[tilespmem:s22+$0xF580] =	vst v5;
	(pc) =	sbr.rel @p0 .LBB2_1-.Ltmp3, $4  }
0x8a: {  	[hbm4b:s7+s4] =	stream.linear.scatter [tilespmem:s17], [sflag:$0x5], $0x2000, $0x38;
	[tilespmem:$0x11400] =	vst v63  }
0x8b: {  	_ =	swait.ge [sflag:s18], $0x2000  }
0x8c: {  	[sflag:s18] =	ssyncset.done $0x0  }
0x8d: {  	[sflag:s18] =	ssyncadd.s32 $0xFFFFE000  }
0x8e: {  	_ =	sfence.sel $0x180000  }
0x8f: {  	[bflag:$0x0] =	sbarrier.arrive $0xFFFF  }
0x90: {  	p0 =	sne.s32 s0, $0x0;
	_ =	strace $0x90000047  }
0x91: {  	s0 =	sadd.s32 @!p0 $0x100000, s2;
	[bflag:$0x2] =	sbarrier.arrive $0xFFFF  }
0x92: {  	[sflag:s0] =	ssyncadd.tile.s32 @!p0 $0x1;
	_ =	shalt  }
.Lfunc_end2:
_tile_overlayer_lowered:
.L_overlay_start_2:
0x93: {  	(tag) =	ssettag $0x2  }
0x94: {  	s0 =	rddreg [dreg:$0x0];
	s2 =	stileid.u32  }
0x95: {  	s1 =	rddreg [dreg:$0x1];
	p0 =	sne.s32 s2, $0x0  }
0x96: {  	s3 =	rddreg [dreg:$0x2];
	[bflag:$0x3] =	sbarrier.arrive $0xFFFF;
	s2 =	simm.s32 @!p0 $0x1C05  }
0x97: {  	[timem:s3], [sflag:s2] =	dma.local @!p0 [hbm:s0], s1  }
0x98: {  	s0 =	simm.s32 @!p0 $0x5  }
0x99: {  	_ =	swait.ge @!p0 [sflag:s0], s1  }
0x9a: {  	s1 =	ssub.s32 @!p0 $0x0, s1;
	[sflag:s0] =	ssyncset.done @!p0 $0x0  }
0x9b: {  	[sflag:s0] =	ssyncadd.s32 @!p0 s1  }
0x9c: {  	[bflag:$0x3] =	sbarrier.arrive $0xFFFF  }
0x9d: {  	_ =	shalt  }

</sc_bundles>
